<compile_context>
chip_gen: v7x
topology: tpu7x:2x2x1
jax: 0.10.2.dev20260603
libtpu: 0.0.44.dev20260713+nightly
codegen_flags: <defaults>
</compile_context>

<pallas_src>
import functools

import jax
import jax.numpy as jnp
from jax import lax
from jax.experimental import pallas as pl
from jax.experimental.pallas import tpu as pltpu
from jax.experimental.pallas import tpu_sc as plsc

_NC, _NS = 2, 16
_NW = _NC * _NS
_BBLK = 128
_NBUF = 10
_LAG = 5

_mesh = plsc.VectorSubcoreMesh(core_axis_name="c", subcore_axis_name="s")


@functools.lru_cache(maxsize=None)
def _build_stage(batch: int, hist: int, embed_dim: int):
    assert batch == _NW * _BBLK and hist % _NBUF == 0

    @functools.partial(
        pl.kernel,
        mesh=_mesh,
        out_type=jax.ShapeDtypeStruct((_NW, hist, _BBLK), jnp.int32),
        scratch_types=[pltpu.VMEM((hist, _BBLK), jnp.int32)],
        compiler_params=pltpu.CompilerParams(use_tc_tiling_on_sc=True),
    )
    def stage_idx(xt_hbm, out_hbm, idx_v):
        wid = lax.axis_index("s") * _NC + lax.axis_index("c")
        pltpu.sync_copy(xt_hbm.at[:, pl.ds(wid * _BBLK, _BBLK)], idx_v)
        pltpu.sync_copy(idx_v, out_hbm.at[wid])

    gather_scratch = (
        [pltpu.VMEM((hist, _BBLK), jnp.int32)]
        + [pltpu.VMEM((_BBLK, embed_dim), jnp.float32)
           for _ in range(_NBUF)]
        + [pltpu.SemaphoreType.DMA for _ in range(2 * _NBUF)]
    )

    @functools.partial(
        pl.kernel,
        mesh=_mesh,
        out_type=jax.ShapeDtypeStruct((batch, hist, embed_dim), jnp.float32),
        scratch_types=gather_scratch,
        compiler_params=pltpu.CompilerParams(use_tc_tiling_on_sc=False),
    )
    def stage_gather(idx_hbm, table_hbm, out_hbm, idx_v, *bufs_and_sems):
        rows = bufs_and_sems[:_NBUF]
        gsem = bufs_and_sems[_NBUF:2 * _NBUF]
        osem = bufs_and_sems[2 * _NBUF:]

        wid = lax.axis_index("s") * _NC + lax.axis_index("c")
        b0 = wid * _BBLK

        pltpu.sync_copy(idx_hbm.at[wid], idx_v)

        def fire_gather(t, b):
            pltpu.make_async_copy(
                table_hbm.at[idx_v.at[t]], rows[b], gsem[b]).start()

        def wait_gather(b):
            pltpu.make_async_copy(
                table_hbm.at[idx_v.at[0]], rows[b], gsem[b]).wait()

        def fire_out(t, b):
            pltpu.make_async_copy(
                rows[b], out_hbm.at[pl.ds(b0, _BBLK), t], osem[b]).start()

        def wait_out(b):
            pltpu.make_async_copy(
                rows[b], out_hbm.at[pl.ds(b0, _BBLK), 0], osem[b]).wait()

        for b in range(_NBUF):
            fire_gather(b, b)
            if b >= _LAG:
                wait_gather(b - _LAG)
                fire_out(b - _LAG, b - _LAG)

        def body(g, _):
            t0 = g * _NBUF
            for b in range(_NBUF):
                t = t0 + b
                wait_out(b)
                fire_gather(t, b)
                b2 = (b - _LAG) % _NBUF
                wait_gather(b2)
                fire_out(t - _LAG, b2)
            return 0

        lax.fori_loop(1, hist // _NBUF, body, 0)

        tail0 = hist - _LAG
        for i in range(_LAG):
            b = (tail0 + i) % _NBUF
            wait_gather(b)
            fire_out(tail0 + i, b)
        for b in range(_NBUF):
            wait_out(b)

    return stage_idx, stage_gather


def kernel(x, table):
    b, h = x.shape
    d = table.shape[1]
    stage_idx, stage_gather = _build_stage(b, h, d)
    idx3 = stage_idx(jnp.transpose(x))
    return stage_gather(idx3, table)

# --- scband reference (transcript-rebuilt; emitter-appended) ---
"""Pipeline reference for scband-embedding-69750268887663 (READ-ONLY COPY).

The authoritative reference and input builder live on the scoring server;
editing this copy changes nothing except your own understanding.
"""

import jax, jax.numpy as jnp
import numpy as np

VOCAB = 1000000
EMBED_DIM = 64
BATCH = 4096
HIST = 200

def setup_inputs(seed: int = 0) -> dict:
    key = jax.random.key(seed)
    k_idx, k_tab = jax.random.split(key)
    x = jax.random.randint(k_idx, (BATCH, HIST), 0, VOCAB, dtype=jnp.int64 if jax.config.jax_enable_x64 else jnp.int32)
    table = jax.random.normal(k_tab, (VOCAB, EMBED_DIM), dtype=jnp.float32)
    return {"x": x, "table": table}

def reference(x, table):
    # nn.Embedding forward: gather rows of the table by index
    return jnp.take(table, x, axis=0)

if __name__ == "__main__":
    import jax
    _d = setup_inputs()
    print(jax.jit(kernel)(*tuple(_d.values())))

</pallas_src>

<mosaic_0001>
#map = affine_map<(d0, d1) -> (0, 0)>
#map1 = affine_map<(d0, d1) -> (0, 0, 0)>
module attributes {stable_mosaic.version = 14 : i64} {
  func.func @stage_idx(%arg0: i32, %arg1: i32, %arg2: memref<200x4096xi32, #tpu.memory_space<hbm>>, %arg3: memref<32x200x128xi32, #tpu.memory_space<hbm>>, %arg4: memref<200x128xi32, #tpu.memory_space<vmem>>) attributes {dimension_semantics = [#tpu.dimension_semantics<core_parallel>, #tpu.dimension_semantics<subcore_parallel>], iteration_bounds = array<i64: 2, 16>, scalar_prefetch = 0 : i64, scratch_operands = 1 : i64, tpu.core_type = #tpu.core_type<sc_vector_subcore>, window_params = [{transform_indices = #map}, {transform_indices = #map1}]} {
    %mul3A = arith.constant 2 : i32
    %mul3A_0 = arith.muli %arg1, %mul3A : i32
    %add3A = arith.addi %mul3A_0, %arg0 : i32
    %mul3A_1 = arith.constant 128 : i32
    %mul3A_2 = arith.muli %add3A, %mul3A_1 : i32
    "tpu.region"() ({
      %run_scoped3A = tpu.sem_alloc : memref<!tpu.dma_semaphore, #tpu.memory_space<semaphore_mem>>
      %dma_start3A = arith.constant 0 : i32
      %dma_start3A_3 = tpu.memref_slice %arg2[%dma_start3A, %mul3A_2] : memref<200x4096xi32, #tpu.memory_space<hbm>> -> memref<200x128xi32, #tpu.memory_space<hbm>>
      %dma_start3A_4 = arith.constant 0 : i32
      %dma_start3A_5 = tpu.memref_slice %arg2[%dma_start3A_4, %mul3A_2] : memref<200x4096xi32, #tpu.memory_space<hbm>> -> memref<200x128xi32, #tpu.memory_space<hbm>>
      tpu.enqueue_dma source(%dma_start3A_5 : memref<200x128xi32, #tpu.memory_space<hbm>>) target(%arg4 : memref<200x128xi32, #tpu.memory_space<vmem>>) target_semaphore(%run_scoped3A : memref<!tpu.dma_semaphore, #tpu.memory_space<semaphore_mem>>)
      %dma_wait3A = arith.constant 0 : i32
      %dma_wait3A_6 = tpu.memref_slice %arg2[%dma_wait3A, %mul3A_2] : memref<200x4096xi32, #tpu.memory_space<hbm>> -> memref<200x128xi32, #tpu.memory_space<hbm>>
      %dma_wait3A_7 = arith.constant 0 : i32
      %dma_wait3A_8 = tpu.memref_slice %arg2[%dma_wait3A_7, %mul3A_2] : memref<200x4096xi32, #tpu.memory_space<hbm>> -> memref<200x128xi32, #tpu.memory_space<hbm>>
      tpu.wait_dma2 semaphore(%run_scoped3A : memref<!tpu.dma_semaphore, #tpu.memory_space<semaphore_mem>>) src(%dma_wait3A_8 : memref<200x128xi32, #tpu.memory_space<hbm>>) dst(%arg4 : memref<200x128xi32, #tpu.memory_space<vmem>>)
      tpu.yield
    }) : () -> ()
    "tpu.region"() ({
      %run_scoped3A = tpu.sem_alloc : memref<!tpu.dma_semaphore, #tpu.memory_space<semaphore_mem>>
      %dma_start3A = arith.constant 0 : i32
      %dma_start3A_3 = arith.constant 0 : i32
      %dma_start3A_4 = tpu.memref_slice %arg3[%add3A, %dma_start3A, %dma_start3A_3] : memref<32x200x128xi32, #tpu.memory_space<hbm>> -> memref<1x200x128xi32, #tpu.memory_space<hbm>>
      %dma_start3A_5 = tpu.memref_squeeze %dma_start3A_4 : memref<1x200x128xi32, #tpu.memory_space<hbm>> -> memref<200x128xi32, #tpu.memory_space<hbm>>
      %dma_start3A_6 = arith.constant 0 : i32
      %dma_start3A_7 = arith.constant 0 : i32
      %dma_start3A_8 = tpu.memref_slice %arg3[%add3A, %dma_start3A_6, %dma_start3A_7] : memref<32x200x128xi32, #tpu.memory_space<hbm>> -> memref<1x200x128xi32, #tpu.memory_space<hbm>>
      %dma_start3A_9 = tpu.memref_squeeze %dma_start3A_8 : memref<1x200x128xi32, #tpu.memory_space<hbm>> -> memref<200x128xi32, #tpu.memory_space<hbm>>
      tpu.enqueue_dma source(%arg4 : memref<200x128xi32, #tpu.memory_space<vmem>>) target(%dma_start3A_9 : memref<200x128xi32, #tpu.memory_space<hbm>>) target_semaphore(%run_scoped3A : memref<!tpu.dma_semaphore, #tpu.memory_space<semaphore_mem>>)
      %dma_wait3A = arith.constant 0 : i32
      %dma_wait3A_10 = arith.constant 0 : i32
      %dma_wait3A_11 = tpu.memref_slice %arg3[%add3A, %dma_wait3A, %dma_wait3A_10] : memref<32x200x128xi32, #tpu.memory_space<hbm>> -> memref<1x200x128xi32, #tpu.memory_space<hbm>>
      %dma_wait3A_12 = tpu.memref_squeeze %dma_wait3A_11 : memref<1x200x128xi32, #tpu.memory_space<hbm>> -> memref<200x128xi32, #tpu.memory_space<hbm>>
      %dma_wait3A_13 = arith.constant 0 : i32
      %dma_wait3A_14 = arith.constant 0 : i32
      %dma_wait3A_15 = tpu.memref_slice %arg3[%add3A, %dma_wait3A_13, %dma_wait3A_14] : memref<32x200x128xi32, #tpu.memory_space<hbm>> -> memref<1x200x128xi32, #tpu.memory_space<hbm>>
      %dma_wait3A_16 = tpu.memref_squeeze %dma_wait3A_15 : memref<1x200x128xi32, #tpu.memory_space<hbm>> -> memref<200x128xi32, #tpu.memory_space<hbm>>
      tpu.wait_dma2 semaphore(%run_scoped3A : memref<!tpu.dma_semaphore, #tpu.memory_space<semaphore_mem>>) src(%arg4 : memref<200x128xi32, #tpu.memory_space<vmem>>) dst(%dma_wait3A_16 : memref<200x128xi32, #tpu.memory_space<hbm>>)
      tpu.yield
    }) : () -> ()
    return
  }
}

#map = affine_map<(d0, d1) -> (0, 0, 0)>
#map1 = affine_map<(d0, d1) -> (0, 0)>
module attributes {stable_mosaic.version = 14 : i64} {
  func.func @stage_gather(%arg0: i32, %arg1: i32, %arg2: memref<32x200x128xi32, #tpu.memory_space<hbm>>, %arg3: memref<1000000x64xf32, #tpu.memory_space<hbm>>, %arg4: memref<4096x200x64xf32, #tpu.memory_space<hbm>>, %arg5: memref<200x128xi32, #tpu.memory_space<vmem>>, %arg6: memref<128x64xf32, #tpu.memory_space<vmem>>, %arg7: memref<128x64xf32, #tpu.memory_space<vmem>>, %arg8: memref<128x64xf32, #tpu.memory_space<vmem>>, %arg9: memref<128x64xf32, #tpu.memory_space<vmem>>, %arg10: memref<128x64xf32, #tpu.memory_space<vmem>>, %arg11: memref<128x64xf32, #tpu.memory_space<vmem>>, %arg12: memref<128x64xf32, #tpu.memory_space<vmem>>, %arg13: memref<128x64xf32, #tpu.memory_space<vmem>>, %arg14: memref<128x64xf32, #tpu.memory_space<vmem>>, %arg15: memref<128x64xf32, #tpu.memory_space<vmem>>, %arg16: memref<!tpu.dma_semaphore, #tpu.memory_space<semaphore_mem>>, %arg17: memref<!tpu.dma_semaphore, #tpu.memory_space<semaphore_mem>>, %arg18: memref<!tpu.dma_semaphore, #tpu.memory_space<semaphore_mem>>, %arg19: memref<!tpu.dma_semaphore, #tpu.memory_space<semaphore_mem>>, %arg20: memref<!tpu.dma_semaphore, #tpu.memory_space<semaphore_mem>>, %arg21: memref<!tpu.dma_semaphore, #tpu.memory_space<semaphore_mem>>, %arg22: memref<!tpu.dma_semaphore, #tpu.memory_space<semaphore_mem>>, %arg23: memref<!tpu.dma_semaphore, #tpu.memory_space<semaphore_mem>>, %arg24: memref<!tpu.dma_semaphore, #tpu.memory_space<semaphore_mem>>, %arg25: memref<!tpu.dma_semaphore, #tpu.memory_space<semaphore_mem>>, %arg26: memref<!tpu.dma_semaphore, #tpu.memory_space<semaphore_mem>>, %arg27: memref<!tpu.dma_semaphore, #tpu.memory_space<semaphore_mem>>, %arg28: memref<!tpu.dma_semaphore, #tpu.memory_space<semaphore_mem>>, %arg29: memref<!tpu.dma_semaphore, #tpu.memory_space<semaphore_mem>>, %arg30: memref<!tpu.dma_semaphore, #tpu.memory_space<semaphore_mem>>, %arg31: memref<!tpu.dma_semaphore, #tpu.memory_space<semaphore_mem>>, %arg32: memref<!tpu.dma_semaphore, #tpu.memory_space<semaphore_mem>>, %arg33: memref<!tpu.dma_semaphore, #tpu.memory_space<semaphore_mem>>, %arg34: memref<!tpu.dma_semaphore, #tpu.memory_space<semaphore_mem>>, %arg35: memref<!tpu.dma_semaphore, #tpu.memory_space<semaphore_mem>>) attributes {dimension_semantics = [#tpu.dimension_semantics<core_parallel>, #tpu.dimension_semantics<subcore_parallel>], iteration_bounds = array<i64: 2, 16>, scalar_prefetch = 0 : i64, scratch_operands = 31 : i64, tpu.core_type = #tpu.core_type<sc_vector_subcore>, window_params = [{transform_indices = #map}, {transform_indices = #map1}, {transform_indices = #map}]} {
    %mul3A = arith.constant 2 : i32
    %mul3A_0 = arith.muli %arg1, %mul3A : i32
    %add3A = arith.addi %mul3A_0, %arg0 : i32
    %mul3A_1 = arith.constant 128 : i32
    %mul3A_2 = arith.muli %add3A, %mul3A_1 : i32
    "tpu.region"() ({
      %run_scoped3A = tpu.sem_alloc : memref<!tpu.dma_semaphore, #tpu.memory_space<semaphore_mem>>
      %dma_start3A_287 = arith.constant 0 : i32
      %dma_start3A_288 = arith.constant 0 : i32
      %dma_start3A_289 = tpu.memref_slice %arg2[%add3A, %dma_start3A_287, %dma_start3A_288] : memref<32x200x128xi32, #tpu.memory_space<hbm>> -> memref<1x200x128xi32, #tpu.memory_space<hbm>>
      %dma_start3A_290 = tpu.memref_squeeze %dma_start3A_289 : memref<1x200x128xi32, #tpu.memory_space<hbm>> -> memref<200x128xi32, #tpu.memory_space<hbm>>
      %dma_start3A_291 = arith.constant 0 : i32
      %dma_start3A_292 = arith.constant 0 : i32
      %dma_start3A_293 = tpu.memref_slice %arg2[%add3A, %dma_start3A_291, %dma_start3A_292] : memref<32x200x128xi32, #tpu.memory_space<hbm>> -> memref<1x200x128xi32, #tpu.memory_space<hbm>>
      %dma_start3A_294 = tpu.memref_squeeze %dma_start3A_293 : memref<1x200x128xi32, #tpu.memory_space<hbm>> -> memref<200x128xi32, #tpu.memory_space<hbm>>
      tpu.enqueue_dma source(%dma_start3A_294 : memref<200x128xi32, #tpu.memory_space<hbm>>) target(%arg5 : memref<200x128xi32, #tpu.memory_space<vmem>>) target_semaphore(%run_scoped3A : memref<!tpu.dma_semaphore, #tpu.memory_space<semaphore_mem>>)
      %dma_wait3A_295 = arith.constant 0 : i32
      %dma_wait3A_296 = arith.constant 0 : i32
      %dma_wait3A_297 = tpu.memref_slice %arg2[%add3A, %dma_wait3A_295, %dma_wait3A_296] : memref<32x200x128xi32, #tpu.memory_space<hbm>> -> memref<1x200x128xi32, #tpu.memory_space<hbm>>
      %dma_wait3A_298 = tpu.memref_squeeze %dma_wait3A_297 : memref<1x200x128xi32, #tpu.memory_space<hbm>> -> memref<200x128xi32, #tpu.memory_space<hbm>>
      %dma_wait3A_299 = arith.constant 0 : i32
      %dma_wait3A_300 = arith.constant 0 : i32
      %dma_wait3A_301 = tpu.memref_slice %arg2[%add3A, %dma_wait3A_299, %dma_wait3A_300] : memref<32x200x128xi32, #tpu.memory_space<hbm>> -> memref<1x200x128xi32, #tpu.memory_space<hbm>>
      %dma_wait3A_302 = tpu.memref_squeeze %dma_wait3A_301 : memref<1x200x128xi32, #tpu.memory_space<hbm>> -> memref<200x128xi32, #tpu.memory_space<hbm>>
      tpu.wait_dma2 semaphore(%run_scoped3A : memref<!tpu.dma_semaphore, #tpu.memory_space<semaphore_mem>>) src(%dma_wait3A_302 : memref<200x128xi32, #tpu.memory_space<hbm>>) dst(%arg5 : memref<200x128xi32, #tpu.memory_space<vmem>>)
      tpu.yield
    }) : () -> ()
    %dma_start3A = arith.constant 0 : i32
    %dma_start3A_3 = arith.constant 0 : i32
    %dma_start3A_4 = tpu.memref_slice %arg5[%dma_start3A, %dma_start3A_3] : memref<200x128xi32, #tpu.memory_space<vmem>> -> memref<1x128xi32, #tpu.memory_space<vmem>>
    %dma_start3A_5 = tpu.memref_squeeze %dma_start3A_4 : memref<1x128xi32, #tpu.memory_space<vmem>> -> memref<128xi32, #tpu.memory_space<vmem>>
    %dma_start3A_6 = arith.constant 0 : i32
    %dma_start3A_7 = arith.constant 0 : i32
    %dma_start3A_8 = tpu.memref_slice %arg3[%dma_start3A_6, %dma_start3A_7] : memref<1000000x64xf32, #tpu.memory_space<hbm>> -> memref<1000000x64xf32, #tpu.memory_space<hbm>>
    tpu.enqueue_indirect_dma source(%dma_start3A_8 : memref<1000000x64xf32, #tpu.memory_space<hbm>>) target(%arg6 : memref<128x64xf32, #tpu.memory_space<vmem>>) offsets(%dma_start3A_5 : memref<128xi32, #tpu.memory_space<vmem>>) semaphore(%arg16 : memref<!tpu.dma_semaphore, #tpu.memory_space<semaphore_mem>>)
    %dma_start3A_9 = arith.constant 1 : i32
    %dma_start3A_10 = arith.constant 0 : i32
    %dma_start3A_11 = tpu.memref_slice %arg5[%dma_start3A_9, %dma_start3A_10] : memref<200x128xi32, #tpu.memory_space<vmem>> -> memref<1x128xi32, #tpu.memory_space<vmem>>
    %dma_start3A_12 = tpu.memref_squeeze %dma_start3A_11 : memref<1x128xi32, #tpu.memory_space<vmem>> -> memref<128xi32, #tpu.memory_space<vmem>>
    %dma_start3A_13 = arith.constant 0 : i32
    %dma_start3A_14 = arith.constant 0 : i32
    %dma_start3A_15 = tpu.memref_slice %arg3[%dma_start3A_13, %dma_start3A_14] : memref<1000000x64xf32, #tpu.memory_space<hbm>> -> memref<1000000x64xf32, #tpu.memory_space<hbm>>
    tpu.enqueue_indirect_dma source(%dma_start3A_15 : memref<1000000x64xf32, #tpu.memory_space<hbm>>) target(%arg7 : memref<128x64xf32, #tpu.memory_space<vmem>>) offsets(%dma_start3A_12 : memref<128xi32, #tpu.memory_space<vmem>>) semaphore(%arg17 : memref<!tpu.dma_semaphore, #tpu.memory_space<semaphore_mem>>)
    %dma_start3A_16 = arith.constant 2 : i32
    %dma_start3A_17 = arith.constant 0 : i32
    %dma_start3A_18 = tpu.memref_slice %arg5[%dma_start3A_16, %dma_start3A_17] : memref<200x128xi32, #tpu.memory_space<vmem>> -> memref<1x128xi32, #tpu.memory_space<vmem>>
    %dma_start3A_19 = tpu.memref_squeeze %dma_start3A_18 : memref<1x128xi32, #tpu.memory_space<vmem>> -> memref<128xi32, #tpu.memory_space<vmem>>
    %dma_start3A_20 = arith.constant 0 : i32
    %dma_start3A_21 = arith.constant 0 : i32
    %dma_start3A_22 = tpu.memref_slice %arg3[%dma_start3A_20, %dma_start3A_21] : memref<1000000x64xf32, #tpu.memory_space<hbm>> -> memref<1000000x64xf32, #tpu.memory_space<hbm>>
    tpu.enqueue_indirect_dma source(%dma_start3A_22 : memref<1000000x64xf32, #tpu.memory_space<hbm>>) target(%arg8 : memref<128x64xf32, #tpu.memory_space<vmem>>) offsets(%dma_start3A_19 : memref<128xi32, #tpu.memory_space<vmem>>) semaphore(%arg18 : memref<!tpu.dma_semaphore, #tpu.memory_space<semaphore_mem>>)
    %dma_start3A_23 = arith.constant 3 : i32
    %dma_start3A_24 = arith.constant 0 : i32
    %dma_start3A_25 = tpu.memref_slice %arg5[%dma_start3A_23, %dma_start3A_24] : memref<200x128xi32, #tpu.memory_space<vmem>> -> memref<1x128xi32, #tpu.memory_space<vmem>>
    %dma_start3A_26 = tpu.memref_squeeze %dma_start3A_25 : memref<1x128xi32, #tpu.memory_space<vmem>> -> memref<128xi32, #tpu.memory_space<vmem>>
    %dma_start3A_27 = arith.constant 0 : i32
    %dma_start3A_28 = arith.constant 0 : i32
    %dma_start3A_29 = tpu.memref_slice %arg3[%dma_start3A_27, %dma_start3A_28] : memref<1000000x64xf32, #tpu.memory_space<hbm>> -> memref<1000000x64xf32, #tpu.memory_space<hbm>>
    tpu.enqueue_indirect_dma source(%dma_start3A_29 : memref<1000000x64xf32, #tpu.memory_space<hbm>>) target(%arg9 : memref<128x64xf32, #tpu.memory_space<vmem>>) offsets(%dma_start3A_26 : memref<128xi32, #tpu.memory_space<vmem>>) semaphore(%arg19 : memref<!tpu.dma_semaphore, #tpu.memory_space<semaphore_mem>>)
    %dma_start3A_30 = arith.constant 4 : i32
    %dma_start3A_31 = arith.constant 0 : i32
    %dma_start3A_32 = tpu.memref_slice %arg5[%dma_start3A_30, %dma_start3A_31] : memref<200x128xi32, #tpu.memory_space<vmem>> -> memref<1x128xi32, #tpu.memory_space<vmem>>
    %dma_start3A_33 = tpu.memref_squeeze %dma_start3A_32 : memref<1x128xi32, #tpu.memory_space<vmem>> -> memref<128xi32, #tpu.memory_space<vmem>>
    %dma_start3A_34 = arith.constant 0 : i32
    %dma_start3A_35 = arith.constant 0 : i32
    %dma_start3A_36 = tpu.memref_slice %arg3[%dma_start3A_34, %dma_start3A_35] : memref<1000000x64xf32, #tpu.memory_space<hbm>> -> memref<1000000x64xf32, #tpu.memory_space<hbm>>
    tpu.enqueue_indirect_dma source(%dma_start3A_36 : memref<1000000x64xf32, #tpu.memory_space<hbm>>) target(%arg10 : memref<128x64xf32, #tpu.memory_space<vmem>>) offsets(%dma_start3A_33 : memref<128xi32, #tpu.memory_space<vmem>>) semaphore(%arg20 : memref<!tpu.dma_semaphore, #tpu.memory_space<semaphore_mem>>)
    %dma_start3A_37 = arith.constant 5 : i32
    %dma_start3A_38 = arith.constant 0 : i32
    %dma_start3A_39 = tpu.memref_slice %arg5[%dma_start3A_37, %dma_start3A_38] : memref<200x128xi32, #tpu.memory_space<vmem>> -> memref<1x128xi32, #tpu.memory_space<vmem>>
    %dma_start3A_40 = tpu.memref_squeeze %dma_start3A_39 : memref<1x128xi32, #tpu.memory_space<vmem>> -> memref<128xi32, #tpu.memory_space<vmem>>
    %dma_start3A_41 = arith.constant 0 : i32
    %dma_start3A_42 = arith.constant 0 : i32
    %dma_start3A_43 = tpu.memref_slice %arg3[%dma_start3A_41, %dma_start3A_42] : memref<1000000x64xf32, #tpu.memory_space<hbm>> -> memref<1000000x64xf32, #tpu.memory_space<hbm>>
    tpu.enqueue_indirect_dma source(%dma_start3A_43 : memref<1000000x64xf32, #tpu.memory_space<hbm>>) target(%arg11 : memref<128x64xf32, #tpu.memory_space<vmem>>) offsets(%dma_start3A_40 : memref<128xi32, #tpu.memory_space<vmem>>) semaphore(%arg21 : memref<!tpu.dma_semaphore, #tpu.memory_space<semaphore_mem>>)
    %dma_wait3A = arith.constant 0 : i32
    %dma_wait3A_44 = arith.constant 0 : i32
    %dma_wait3A_45 = tpu.memref_slice %arg5[%dma_wait3A, %dma_wait3A_44] : memref<200x128xi32, #tpu.memory_space<vmem>> -> memref<1x128xi32, #tpu.memory_space<vmem>>
    %dma_wait3A_46 = tpu.memref_squeeze %dma_wait3A_45 : memref<1x128xi32, #tpu.memory_space<vmem>> -> memref<128xi32, #tpu.memory_space<vmem>>
    %dma_wait3A_47 = arith.constant 0 : i32
    %dma_wait3A_48 = arith.constant 0 : i32
    %dma_wait3A_49 = tpu.memref_slice %arg3[%dma_wait3A_47, %dma_wait3A_48] : memref<1000000x64xf32, #tpu.memory_space<hbm>> -> memref<1000000x64xf32, #tpu.memory_space<hbm>>
    tpu.wait_indirect_dma semaphore(%arg16 : memref<!tpu.dma_semaphore, #tpu.memory_space<semaphore_mem>>) src(%dma_wait3A_49 : memref<1000000x64xf32, #tpu.memory_space<hbm>>) dst(%arg6 : memref<128x64xf32, #tpu.memory_space<vmem>>)
    %dma_start3A_50 = arith.constant 0 : i32
    %dma_start3A_51 = arith.constant 0 : i32
    %dma_start3A_52 = tpu.memref_slice %arg4[%mul3A_2, %dma_start3A_50, %dma_start3A_51] : memref<4096x200x64xf32, #tpu.memory_space<hbm>> -> memref<128x1x64xf32, #tpu.memory_space<hbm>>
    %dma_start3A_53 = tpu.memref_squeeze %dma_start3A_52 : memref<128x1x64xf32, #tpu.memory_space<hbm>> -> memref<128x64xf32, #tpu.memory_space<hbm>>
    %dma_start3A_54 = arith.constant 0 : i32
    %dma_start3A_55 = tpu.memref_slice %arg4[%mul3A_2, %dma_start3A_50, %dma_start3A_54] : memref<4096x200x64xf32, #tpu.memory_space<hbm>> -> memref<128x1x64xf32, #tpu.memory_space<hbm>>
    %dma_start3A_56 = tpu.memref_squeeze %dma_start3A_55 : memref<128x1x64xf32, #tpu.memory_space<hbm>> -> memref<128x64xf32, #tpu.memory_space<hbm>>
    tpu.enqueue_dma source(%arg6 : memref<128x64xf32, #tpu.memory_space<vmem>>) target(%dma_start3A_56 : memref<128x64xf32, #tpu.memory_space<hbm>>) target_semaphore(%arg26 : memref<!tpu.dma_semaphore, #tpu.memory_space<semaphore_mem>>)
    %dma_start3A_57 = arith.constant 6 : i32
    %dma_start3A_58 = arith.constant 0 : i32
    %dma_start3A_59 = tpu.memref_slice %arg5[%dma_start3A_57, %dma_start3A_58] : memref<200x128xi32, #tpu.memory_space<vmem>> -> memref<1x128xi32, #tpu.memory_space<vmem>>
    %dma_start3A_60 = tpu.memref_squeeze %dma_start3A_59 : memref<1x128xi32, #tpu.memory_space<vmem>> -> memref<128xi32, #tpu.memory_space<vmem>>
    %dma_start3A_61 = arith.constant 0 : i32
    %dma_start3A_62 = arith.constant 0 : i32
    %dma_start3A_63 = tpu.memref_slice %arg3[%dma_start3A_61, %dma_start3A_62] : memref<1000000x64xf32, #tpu.memory_space<hbm>> -> memref<1000000x64xf32, #tpu.memory_space<hbm>>
    tpu.enqueue_indirect_dma source(%dma_start3A_63 : memref<1000000x64xf32, #tpu.memory_space<hbm>>) target(%arg12 : memref<128x64xf32, #tpu.memory_space<vmem>>) offsets(%dma_start3A_60 : memref<128xi32, #tpu.memory_space<vmem>>) semaphore(%arg22 : memref<!tpu.dma_semaphore, #tpu.memory_space<semaphore_mem>>)
    %dma_wait3A_64 = arith.constant 0 : i32
    %dma_wait3A_65 = arith.constant 0 : i32
    %dma_wait3A_66 = tpu.memref_slice %arg5[%dma_wait3A_64, %dma_wait3A_65] : memref<200x128xi32, #tpu.memory_space<vmem>> -> memref<1x128xi32, #tpu.memory_space<vmem>>
    %dma_wait3A_67 = tpu.memref_squeeze %dma_wait3A_66 : memref<1x128xi32, #tpu.memory_space<vmem>> -> memref<128xi32, #tpu.memory_space<vmem>>
    %dma_wait3A_68 = arith.constant 0 : i32
    %dma_wait3A_69 = arith.constant 0 : i32
    %dma_wait3A_70 = tpu.memref_slice %arg3[%dma_wait3A_68, %dma_wait3A_69] : memref<1000000x64xf32, #tpu.memory_space<hbm>> -> memref<1000000x64xf32, #tpu.memory_space<hbm>>
    tpu.wait_indirect_dma semaphore(%arg17 : memref<!tpu.dma_semaphore, #tpu.memory_space<semaphore_mem>>) src(%dma_wait3A_70 : memref<1000000x64xf32, #tpu.memory_space<hbm>>) dst(%arg7 : memref<128x64xf32, #tpu.memory_space<vmem>>)
    %dma_start3A_71 = arith.constant 1 : i32
    %dma_start3A_72 = arith.constant 0 : i32
    %dma_start3A_73 = tpu.memref_slice %arg4[%mul3A_2, %dma_start3A_71, %dma_start3A_72] : memref<4096x200x64xf32, #tpu.memory_space<hbm>> -> memref<128x1x64xf32, #tpu.memory_space<hbm>>
    %dma_start3A_74 = tpu.memref_squeeze %dma_start3A_73 : memref<128x1x64xf32, #tpu.memory_space<hbm>> -> memref<128x64xf32, #tpu.memory_space<hbm>>
    %dma_start3A_75 = arith.constant 0 : i32
    %dma_start3A_76 = tpu.memref_slice %arg4[%mul3A_2, %dma_start3A_71, %dma_start3A_75] : memref<4096x200x64xf32, #tpu.memory_space<hbm>> -> memref<128x1x64xf32, #tpu.memory_space<hbm>>
    %dma_start3A_77 = tpu.memref_squeeze %dma_start3A_76 : memref<128x1x64xf32, #tpu.memory_space<hbm>> -> memref<128x64xf32, #tpu.memory_space<hbm>>
    tpu.enqueue_dma source(%arg7 : memref<128x64xf32, #tpu.memory_space<vmem>>) target(%dma_start3A_77 : memref<128x64xf32, #tpu.memory_space<hbm>>) target_semaphore(%arg27 : memref<!tpu.dma_semaphore, #tpu.memory_space<semaphore_mem>>)
    %dma_start3A_78 = arith.constant 7 : i32
    %dma_start3A_79 = arith.constant 0 : i32
    %dma_start3A_80 = tpu.memref_slice %arg5[%dma_start3A_78, %dma_start3A_79] : memref<200x128xi32, #tpu.memory_space<vmem>> -> memref<1x128xi32, #tpu.memory_space<vmem>>
    %dma_start3A_81 = tpu.memref_squeeze %dma_start3A_80 : memref<1x128xi32, #tpu.memory_space<vmem>> -> memref<128xi32, #tpu.memory_space<vmem>>
    %dma_start3A_82 = arith.constant 0 : i32
    %dma_start3A_83 = arith.constant 0 : i32
    %dma_start3A_84 = tpu.memref_slice %arg3[%dma_start3A_82, %dma_start3A_83] : memref<1000000x64xf32, #tpu.memory_space<hbm>> -> memref<1000000x64xf32, #tpu.memory_space<hbm>>
    tpu.enqueue_indirect_dma source(%dma_start3A_84 : memref<1000000x64xf32, #tpu.memory_space<hbm>>) target(%arg13 : memref<128x64xf32, #tpu.memory_space<vmem>>) offsets(%dma_start3A_81 : memref<128xi32, #tpu.memory_space<vmem>>) semaphore(%arg23 : memref<!tpu.dma_semaphore, #tpu.memory_space<semaphore_mem>>)
    %dma_wait3A_85 = arith.constant 0 : i32
    %dma_wait3A_86 = arith.constant 0 : i32
    %dma_wait3A_87 = tpu.memref_slice %arg5[%dma_wait3A_85, %dma_wait3A_86] : memref<200x128xi32, #tpu.memory_space<vmem>> -> memref<1x128xi32, #tpu.memory_space<vmem>>
    %dma_wait3A_88 = tpu.memref_squeeze %dma_wait3A_87 : memref<1x128xi32, #tpu.memory_space<vmem>> -> memref<128xi32, #tpu.memory_space<vmem>>
    %dma_wait3A_89 = arith.constant 0 : i32
    %dma_wait3A_90 = arith.constant 0 : i32
    %dma_wait3A_91 = tpu.memref_slice %arg3[%dma_wait3A_89, %dma_wait3A_90] : memref<1000000x64xf32, #tpu.memory_space<hbm>> -> memref<1000000x64xf32, #tpu.memory_space<hbm>>
    tpu.wait_indirect_dma semaphore(%arg18 : memref<!tpu.dma_semaphore, #tpu.memory_space<semaphore_mem>>) src(%dma_wait3A_91 : memref<1000000x64xf32, #tpu.memory_space<hbm>>) dst(%arg8 : memref<128x64xf32, #tpu.memory_space<vmem>>)
    %dma_start3A_92 = arith.constant 2 : i32
    %dma_start3A_93 = arith.constant 0 : i32
    %dma_start3A_94 = tpu.memref_slice %arg4[%mul3A_2, %dma_start3A_92, %dma_start3A_93] : memref<4096x200x64xf32, #tpu.memory_space<hbm>> -> memref<128x1x64xf32, #tpu.memory_space<hbm>>
    %dma_start3A_95 = tpu.memref_squeeze %dma_start3A_94 : memref<128x1x64xf32, #tpu.memory_space<hbm>> -> memref<128x64xf32, #tpu.memory_space<hbm>>
    %dma_start3A_96 = arith.constant 0 : i32
    %dma_start3A_97 = tpu.memref_slice %arg4[%mul3A_2, %dma_start3A_92, %dma_start3A_96] : memref<4096x200x64xf32, #tpu.memory_space<hbm>> -> memref<128x1x64xf32, #tpu.memory_space<hbm>>
    %dma_start3A_98 = tpu.memref_squeeze %dma_start3A_97 : memref<128x1x64xf32, #tpu.memory_space<hbm>> -> memref<128x64xf32, #tpu.memory_space<hbm>>
    tpu.enqueue_dma source(%arg8 : memref<128x64xf32, #tpu.memory_space<vmem>>) target(%dma_start3A_98 : memref<128x64xf32, #tpu.memory_space<hbm>>) target_semaphore(%arg28 : memref<!tpu.dma_semaphore, #tpu.memory_space<semaphore_mem>>)
    %dma_start3A_99 = arith.constant 8 : i32
    %dma_start3A_100 = arith.constant 0 : i32
    %dma_start3A_101 = tpu.memref_slice %arg5[%dma_start3A_99, %dma_start3A_100] : memref<200x128xi32, #tpu.memory_space<vmem>> -> memref<1x128xi32, #tpu.memory_space<vmem>>
    %dma_start3A_102 = tpu.memref_squeeze %dma_start3A_101 : memref<1x128xi32, #tpu.memory_space<vmem>> -> memref<128xi32, #tpu.memory_space<vmem>>
    %dma_start3A_103 = arith.constant 0 : i32
    %dma_start3A_104 = arith.constant 0 : i32
    %dma_start3A_105 = tpu.memref_slice %arg3[%dma_start3A_103, %dma_start3A_104] : memref<1000000x64xf32, #tpu.memory_space<hbm>> -> memref<1000000x64xf32, #tpu.memory_space<hbm>>
    tpu.enqueue_indirect_dma source(%dma_start3A_105 : memref<1000000x64xf32, #tpu.memory_space<hbm>>) target(%arg14 : memref<128x64xf32, #tpu.memory_space<vmem>>) offsets(%dma_start3A_102 : memref<128xi32, #tpu.memory_space<vmem>>) semaphore(%arg24 : memref<!tpu.dma_semaphore, #tpu.memory_space<semaphore_mem>>)
    %dma_wait3A_106 = arith.constant 0 : i32
    %dma_wait3A_107 = arith.constant 0 : i32
    %dma_wait3A_108 = tpu.memref_slice %arg5[%dma_wait3A_106, %dma_wait3A_107] : memref<200x128xi32, #tpu.memory_space<vmem>> -> memref<1x128xi32, #tpu.memory_space<vmem>>
    %dma_wait3A_109 = tpu.memref_squeeze %dma_wait3A_108 : memref<1x128xi32, #tpu.memory_space<vmem>> -> memref<128xi32, #tpu.memory_space<vmem>>
    %dma_wait3A_110 = arith.constant 0 : i32
    %dma_wait3A_111 = arith.constant 0 : i32
    %dma_wait3A_112 = tpu.memref_slice %arg3[%dma_wait3A_110, %dma_wait3A_111] : memref<1000000x64xf32, #tpu.memory_space<hbm>> -> memref<1000000x64xf32, #tpu.memory_space<hbm>>
    tpu.wait_indirect_dma semaphore(%arg19 : memref<!tpu.dma_semaphore, #tpu.memory_space<semaphore_mem>>) src(%dma_wait3A_112 : memref<1000000x64xf32, #tpu.memory_space<hbm>>) dst(%arg9 : memref<128x64xf32, #tpu.memory_space<vmem>>)
    %dma_start3A_113 = arith.constant 3 : i32
    %dma_start3A_114 = arith.constant 0 : i32
    %dma_start3A_115 = tpu.memref_slice %arg4[%mul3A_2, %dma_start3A_113, %dma_start3A_114] : memref<4096x200x64xf32, #tpu.memory_space<hbm>> -> memref<128x1x64xf32, #tpu.memory_space<hbm>>
    %dma_start3A_116 = tpu.memref_squeeze %dma_start3A_115 : memref<128x1x64xf32, #tpu.memory_space<hbm>> -> memref<128x64xf32, #tpu.memory_space<hbm>>
    %dma_start3A_117 = arith.constant 0 : i32
    %dma_start3A_118 = tpu.memref_slice %arg4[%mul3A_2, %dma_start3A_113, %dma_start3A_117] : memref<4096x200x64xf32, #tpu.memory_space<hbm>> -> memref<128x1x64xf32, #tpu.memory_space<hbm>>
    %dma_start3A_119 = tpu.memref_squeeze %dma_start3A_118 : memref<128x1x64xf32, #tpu.memory_space<hbm>> -> memref<128x64xf32, #tpu.memory_space<hbm>>
    tpu.enqueue_dma source(%arg9 : memref<128x64xf32, #tpu.memory_space<vmem>>) target(%dma_start3A_119 : memref<128x64xf32, #tpu.memory_space<hbm>>) target_semaphore(%arg29 : memref<!tpu.dma_semaphore, #tpu.memory_space<semaphore_mem>>)
    %dma_start3A_120 = arith.constant 9 : i32
    %dma_start3A_121 = arith.constant 0 : i32
    %dma_start3A_122 = tpu.memref_slice %arg5[%dma_start3A_120, %dma_start3A_121] : memref<200x128xi32, #tpu.memory_space<vmem>> -> memref<1x128xi32, #tpu.memory_space<vmem>>
    %dma_start3A_123 = tpu.memref_squeeze %dma_start3A_122 : memref<1x128xi32, #tpu.memory_space<vmem>> -> memref<128xi32, #tpu.memory_space<vmem>>
    %dma_start3A_124 = arith.constant 0 : i32
    %dma_start3A_125 = arith.constant 0 : i32
    %dma_start3A_126 = tpu.memref_slice %arg3[%dma_start3A_124, %dma_start3A_125] : memref<1000000x64xf32, #tpu.memory_space<hbm>> -> memref<1000000x64xf32, #tpu.memory_space<hbm>>
    tpu.enqueue_indirect_dma source(%dma_start3A_126 : memref<1000000x64xf32, #tpu.memory_space<hbm>>) target(%arg15 : memref<128x64xf32, #tpu.memory_space<vmem>>) offsets(%dma_start3A_123 : memref<128xi32, #tpu.memory_space<vmem>>) semaphore(%arg25 : memref<!tpu.dma_semaphore, #tpu.memory_space<semaphore_mem>>)
    %dma_wait3A_127 = arith.constant 0 : i32
    %dma_wait3A_128 = arith.constant 0 : i32
    %dma_wait3A_129 = tpu.memref_slice %arg5[%dma_wait3A_127, %dma_wait3A_128] : memref<200x128xi32, #tpu.memory_space<vmem>> -> memref<1x128xi32, #tpu.memory_space<vmem>>
    %dma_wait3A_130 = tpu.memref_squeeze %dma_wait3A_129 : memref<1x128xi32, #tpu.memory_space<vmem>> -> memref<128xi32, #tpu.memory_space<vmem>>
    %dma_wait3A_131 = arith.constant 0 : i32
    %dma_wait3A_132 = arith.constant 0 : i32
    %dma_wait3A_133 = tpu.memref_slice %arg3[%dma_wait3A_131, %dma_wait3A_132] : memref<1000000x64xf32, #tpu.memory_space<hbm>> -> memref<1000000x64xf32, #tpu.memory_space<hbm>>
    tpu.wait_indirect_dma semaphore(%arg20 : memref<!tpu.dma_semaphore, #tpu.memory_space<semaphore_mem>>) src(%dma_wait3A_133 : memref<1000000x64xf32, #tpu.memory_space<hbm>>) dst(%arg10 : memref<128x64xf32, #tpu.memory_space<vmem>>)
    %dma_start3A_134 = arith.constant 4 : i32
    %dma_start3A_135 = arith.constant 0 : i32
    %dma_start3A_136 = tpu.memref_slice %arg4[%mul3A_2, %dma_start3A_134, %dma_start3A_135] : memref<4096x200x64xf32, #tpu.memory_space<hbm>> -> memref<128x1x64xf32, #tpu.memory_space<hbm>>
    %dma_start3A_137 = tpu.memref_squeeze %dma_start3A_136 : memref<128x1x64xf32, #tpu.memory_space<hbm>> -> memref<128x64xf32, #tpu.memory_space<hbm>>
    %dma_start3A_138 = arith.constant 0 : i32
    %dma_start3A_139 = tpu.memref_slice %arg4[%mul3A_2, %dma_start3A_134, %dma_start3A_138] : memref<4096x200x64xf32, #tpu.memory_space<hbm>> -> memref<128x1x64xf32, #tpu.memory_space<hbm>>
    %dma_start3A_140 = tpu.memref_squeeze %dma_start3A_139 : memref<128x1x64xf32, #tpu.memory_space<hbm>> -> memref<128x64xf32, #tpu.memory_space<hbm>>
    tpu.enqueue_dma source(%arg10 : memref<128x64xf32, #tpu.memory_space<vmem>>) target(%dma_start3A_140 : memref<128x64xf32, #tpu.memory_space<hbm>>) target_semaphore(%arg30 : memref<!tpu.dma_semaphore, #tpu.memory_space<semaphore_mem>>)
    %scan3A = arith.constant 0 : i32
    %scan3A_141 = arith.constant 1 : i32
    %scan3A_142 = arith.constant 19 : i32
    %scan3A_143 = arith.addi %scan3A_141, %scan3A_142 : i32
    %scan3A_144 = arith.constant 1 : i32
    %scan3A_145 = scf.for %scan3A_287 = %scan3A_141 to %scan3A_143 step %scan3A_144 iter_args(%scan3A_288 = %scan3A) -> (i32)  : i32 {
      %mul3A_289 = arith.constant 10 : i32
      %mul3A_290 = arith.muli %scan3A_287, %mul3A_289 : i32
      %add3A_291 = arith.constant 0 : i32
      %add3A_292 = arith.addi %mul3A_290, %add3A_291 : i32
      %dma_wait3A_293 = arith.constant 0 : i32
      %dma_wait3A_294 = arith.constant 0 : i32
      %dma_wait3A_295 = tpu.memref_slice %arg4[%mul3A_2, %dma_wait3A_293, %dma_wait3A_294] : memref<4096x200x64xf32, #tpu.memory_space<hbm>> -> memref<128x1x64xf32, #tpu.memory_space<hbm>>
      %dma_wait3A_296 = tpu.memref_squeeze %dma_wait3A_295 : memref<128x1x64xf32, #tpu.memory_space<hbm>> -> memref<128x64xf32, #tpu.memory_space<hbm>>
      %dma_wait3A_297 = arith.constant 0 : i32
      %dma_wait3A_298 = tpu.memref_slice %arg4[%mul3A_2, %dma_wait3A_293, %dma_wait3A_297] : memref<4096x200x64xf32, #tpu.memory_space<hbm>> -> memref<128x1x64xf32, #tpu.memory_space<hbm>>
      %dma_wait3A_299 = tpu.memref_squeeze %dma_wait3A_298 : memref<128x1x64xf32, #tpu.memory_space<hbm>> -> memref<128x64xf32, #tpu.memory_space<hbm>>
      tpu.wait_dma2 semaphore(%arg26 : memref<!tpu.dma_semaphore, #tpu.memory_space<semaphore_mem>>) src(%arg6 : memref<128x64xf32, #tpu.memory_space<vmem>>) dst(%dma_wait3A_299 : memref<128x64xf32, #tpu.memory_space<hbm>>)
      %dma_start3A_300 = arith.constant 0 : i32
      %dma_start3A_301 = tpu.memref_slice %arg5[%add3A_292, %dma_start3A_300] : memref<200x128xi32, #tpu.memory_space<vmem>> -> memref<1x128xi32, #tpu.memory_space<vmem>>
      %dma_start3A_302 = tpu.memref_squeeze %dma_start3A_301 : memref<1x128xi32, #tpu.memory_space<vmem>> -> memref<128xi32, #tpu.memory_space<vmem>>
      %dma_start3A_303 = arith.constant 0 : i32
      %dma_start3A_304 = arith.constant 0 : i32
      %dma_start3A_305 = tpu.memref_slice %arg3[%dma_start3A_303, %dma_start3A_304] : memref<1000000x64xf32, #tpu.memory_space<hbm>> -> memref<1000000x64xf32, #tpu.memory_space<hbm>>
      tpu.enqueue_indirect_dma source(%dma_start3A_305 : memref<1000000x64xf32, #tpu.memory_space<hbm>>) target(%arg6 : memref<128x64xf32, #tpu.memory_space<vmem>>) offsets(%dma_start3A_302 : memref<128xi32, #tpu.memory_space<vmem>>) semaphore(%arg16 : memref<!tpu.dma_semaphore, #tpu.memory_space<semaphore_mem>>)
      %dma_wait3A_306 = arith.constant 0 : i32
      %dma_wait3A_307 = arith.constant 0 : i32
      %dma_wait3A_308 = tpu.memref_slice %arg5[%dma_wait3A_306, %dma_wait3A_307] : memref<200x128xi32, #tpu.memory_space<vmem>> -> memref<1x128xi32, #tpu.memory_space<vmem>>
      %dma_wait3A_309 = tpu.memref_squeeze %dma_wait3A_308 : memref<1x128xi32, #tpu.memory_space<vmem>> -> memref<128xi32, #tpu.memory_space<vmem>>
      %dma_wait3A_310 = arith.constant 0 : i32
      %dma_wait3A_311 = arith.constant 0 : i32
      %dma_wait3A_312 = tpu.memref_slice %arg3[%dma_wait3A_310, %dma_wait3A_311] : memref<1000000x64xf32, #tpu.memory_space<hbm>> -> memref<1000000x64xf32, #tpu.memory_space<hbm>>
      tpu.wait_indirect_dma semaphore(%arg21 : memref<!tpu.dma_semaphore, #tpu.memory_space<semaphore_mem>>) src(%dma_wait3A_312 : memref<1000000x64xf32, #tpu.memory_space<hbm>>) dst(%arg11 : memref<128x64xf32, #tpu.memory_space<vmem>>)
      %sub3A = arith.constant 5 : i32
      %sub3A_313 = arith.subi %add3A_292, %sub3A : i32
      %dma_start3A_314 = arith.constant 0 : i32
      %dma_start3A_315 = tpu.memref_slice %arg4[%mul3A_2, %sub3A_313, %dma_start3A_314] : memref<4096x200x64xf32, #tpu.memory_space<hbm>> -> memref<128x1x64xf32, #tpu.memory_space<hbm>>
      %dma_start3A_316 = tpu.memref_squeeze %dma_start3A_315 : memref<128x1x64xf32, #tpu.memory_space<hbm>> -> memref<128x64xf32, #tpu.memory_space<hbm>>
      %dma_start3A_317 = arith.constant 0 : i32
      %dma_start3A_318 = tpu.memref_slice %arg4[%mul3A_2, %sub3A_313, %dma_start3A_317] : memref<4096x200x64xf32, #tpu.memory_space<hbm>> -> memref<128x1x64xf32, #tpu.memory_space<hbm>>
      %dma_start3A_319 = tpu.memref_squeeze %dma_start3A_318 : memref<128x1x64xf32, #tpu.memory_space<hbm>> -> memref<128x64xf32, #tpu.memory_space<hbm>>
      tpu.enqueue_dma source(%arg11 : memref<128x64xf32, #tpu.memory_space<vmem>>) target(%dma_start3A_319 : memref<128x64xf32, #tpu.memory_space<hbm>>) target_semaphore(%arg31 : memref<!tpu.dma_semaphore, #tpu.memory_space<semaphore_mem>>)
      %add3A_320 = arith.constant 1 : i32
      %add3A_321 = arith.addi %mul3A_290, %add3A_320 : i32
      %dma_wait3A_322 = arith.constant 0 : i32
      %dma_wait3A_323 = arith.constant 0 : i32
      %dma_wait3A_324 = tpu.memref_slice %arg4[%mul3A_2, %dma_wait3A_322, %dma_wait3A_323] : memref<4096x200x64xf32, #tpu.memory_space<hbm>> -> memref<128x1x64xf32, #tpu.memory_space<hbm>>
      %dma_wait3A_325 = tpu.memref_squeeze %dma_wait3A_324 : memref<128x1x64xf32, #tpu.memory_space<hbm>> -> memref<128x64xf32, #tpu.memory_space<hbm>>
      %dma_wait3A_326 = arith.constant 0 : i32
      %dma_wait3A_327 = tpu.memref_slice %arg4[%mul3A_2, %dma_wait3A_322, %dma_wait3A_326] : memref<4096x200x64xf32, #tpu.memory_space<hbm>> -> memref<128x1x64xf32, #tpu.memory_space<hbm>>
      %dma_wait3A_328 = tpu.memref_squeeze %dma_wait3A_327 : memref<128x1x64xf32, #tpu.memory_space<hbm>> -> memref<128x64xf32, #tpu.memory_space<hbm>>
      tpu.wait_dma2 semaphore(%arg27 : memref<!tpu.dma_semaphore, #tpu.memory_space<semaphore_mem>>) src(%arg7 : memref<128x64xf32, #tpu.memory_space<vmem>>) dst(%dma_wait3A_328 : memref<128x64xf32, #tpu.memory_space<hbm>>)
      %dma_start3A_329 = arith.constant 0 : i32
      %dma_start3A_330 = tpu.memref_slice %arg5[%add3A_321, %dma_start3A_329] : memref<200x128xi32, #tpu.memory_space<vmem>> -> memref<1x128xi32, #tpu.memory_space<vmem>>
      %dma_start3A_331 = tpu.memref_squeeze %dma_start3A_330 : memref<1x128xi32, #tpu.memory_space<vmem>> -> memref<128xi32, #tpu.memory_space<vmem>>
      %dma_start3A_332 = arith.constant 0 : i32
      %dma_start3A_333 = arith.constant 0 : i32
      %dma_start3A_334 = tpu.memref_slice %arg3[%dma_start3A_332, %dma_start3A_333] : memref<1000000x64xf32, #tpu.memory_space<hbm>> -> memref<1000000x64xf32, #tpu.memory_space<hbm>>
      tpu.enqueue_indirect_dma source(%dma_start3A_334 : memref<1000000x64xf32, #tpu.memory_space<hbm>>) target(%arg7 : memref<128x64xf32, #tpu.memory_space<vmem>>) offsets(%dma_start3A_331 : memref<128xi32, #tpu.memory_space<vmem>>) semaphore(%arg17 : memref<!tpu.dma_semaphore, #tpu.memory_space<semaphore_mem>>)
      %dma_wait3A_335 = arith.constant 0 : i32
      %dma_wait3A_336 = arith.constant 0 : i32
      %dma_wait3A_337 = tpu.memref_slice %arg5[%dma_wait3A_335, %dma_wait3A_336] : memref<200x128xi32, #tpu.memory_space<vmem>> -> memref<1x128xi32, #tpu.memory_space<vmem>>
      %dma_wait3A_338 = tpu.memref_squeeze %dma_wait3A_337 : memref<1x128xi32, #tpu.memory_space<vmem>> -> memref<128xi32, #tpu.memory_space<vmem>>
      %dma_wait3A_339 = arith.constant 0 : i32
      %dma_wait3A_340 = arith.constant 0 : i32
      %dma_wait3A_341 = tpu.memref_slice %arg3[%dma_wait3A_339, %dma_wait3A_340] : memref<1000000x64xf32, #tpu.memory_space<hbm>> -> memref<1000000x64xf32, #tpu.memory_space<hbm>>
      tpu.wait_indirect_dma semaphore(%arg22 : memref<!tpu.dma_semaphore, #tpu.memory_space<semaphore_mem>>) src(%dma_wait3A_341 : memref<1000000x64xf32, #tpu.memory_space<hbm>>) dst(%arg12 : memref<128x64xf32, #tpu.memory_space<vmem>>)
      %sub3A_342 = arith.constant 5 : i32
      %sub3A_343 = arith.subi %add3A_321, %sub3A_342 : i32
      %dma_start3A_344 = arith.constant 0 : i32
      %dma_start3A_345 = tpu.memref_slice %arg4[%mul3A_2, %sub3A_343, %dma_start3A_344] : memref<4096x200x64xf32, #tpu.memory_space<hbm>> -> memref<128x1x64xf32, #tpu.memory_space<hbm>>
      %dma_start3A_346 = tpu.memref_squeeze %dma_start3A_345 : memref<128x1x64xf32, #tpu.memory_space<hbm>> -> memref<128x64xf32, #tpu.memory_space<hbm>>
      %dma_start3A_347 = arith.constant 0 : i32
      %dma_start3A_348 = tpu.memref_slice %arg4[%mul3A_2, %sub3A_343, %dma_start3A_347] : memref<4096x200x64xf32, #tpu.memory_space<hbm>> -> memref<128x1x64xf32, #tpu.memory_space<hbm>>
      %dma_start3A_349 = tpu.memref_squeeze %dma_start3A_348 : memref<128x1x64xf32, #tpu.memory_space<hbm>> -> memref<128x64xf32, #tpu.memory_space<hbm>>
      tpu.enqueue_dma source(%arg12 : memref<128x64xf32, #tpu.memory_space<vmem>>) target(%dma_start3A_349 : memref<128x64xf32, #tpu.memory_space<hbm>>) target_semaphore(%arg32 : memref<!tpu.dma_semaphore, #tpu.memory_space<semaphore_mem>>)
      %add3A_350 = arith.constant 2 : i32
      %add3A_351 = arith.addi %mul3A_290, %add3A_350 : i32
      %dma_wait3A_352 = arith.constant 0 : i32
      %dma_wait3A_353 = arith.constant 0 : i32
      %dma_wait3A_354 = tpu.memref_slice %arg4[%mul3A_2, %dma_wait3A_352, %dma_wait3A_353] : memref<4096x200x64xf32, #tpu.memory_space<hbm>> -> memref<128x1x64xf32, #tpu.memory_space<hbm>>
      %dma_wait3A_355 = tpu.memref_squeeze %dma_wait3A_354 : memref<128x1x64xf32, #tpu.memory_space<hbm>> -> memref<128x64xf32, #tpu.memory_space<hbm>>
      %dma_wait3A_356 = arith.constant 0 : i32
      %dma_wait3A_357 = tpu.memref_slice %arg4[%mul3A_2, %dma_wait3A_352, %dma_wait3A_356] : memref<4096x200x64xf32, #tpu.memory_space<hbm>> -> memref<128x1x64xf32, #tpu.memory_space<hbm>>
      %dma_wait3A_358 = tpu.memref_squeeze %dma_wait3A_357 : memref<128x1x64xf32, #tpu.memory_space<hbm>> -> memref<128x64xf32, #tpu.memory_space<hbm>>
      tpu.wait_dma2 semaphore(%arg28 : memref<!tpu.dma_semaphore, #tpu.memory_space<semaphore_mem>>) src(%arg8 : memref<128x64xf32, #tpu.memory_space<vmem>>) dst(%dma_wait3A_358 : memref<128x64xf32, #tpu.memory_space<hbm>>)
      %dma_start3A_359 = arith.constant 0 : i32
      %dma_start3A_360 = tpu.memref_slice %arg5[%add3A_351, %dma_start3A_359] : memref<200x128xi32, #tpu.memory_space<vmem>> -> memref<1x128xi32, #tpu.memory_space<vmem>>
      %dma_start3A_361 = tpu.memref_squeeze %dma_start3A_360 : memref<1x128xi32, #tpu.memory_space<vmem>> -> memref<128xi32, #tpu.memory_space<vmem>>
      %dma_start3A_362 = arith.constant 0 : i32
      %dma_start3A_363 = arith.constant 0 : i32
      %dma_start3A_364 = tpu.memref_slice %arg3[%dma_start3A_362, %dma_start3A_363] : memref<1000000x64xf32, #tpu.memory_space<hbm>> -> memref<1000000x64xf32, #tpu.memory_space<hbm>>
      tpu.enqueue_indirect_dma source(%dma_start3A_364 : memref<1000000x64xf32, #tpu.memory_space<hbm>>) target(%arg8 : memref<128x64xf32, #tpu.memory_space<vmem>>) offsets(%dma_start3A_361 : memref<128xi32, #tpu.memory_space<vmem>>) semaphore(%arg18 : memref<!tpu.dma_semaphore, #tpu.memory_space<semaphore_mem>>)
      %dma_wait3A_365 = arith.constant 0 : i32
      %dma_wait3A_366 = arith.constant 0 : i32
      %dma_wait3A_367 = tpu.memref_slice %arg5[%dma_wait3A_365, %dma_wait3A_366] : memref<200x128xi32, #tpu.memory_space<vmem>> -> memref<1x128xi32, #tpu.memory_space<vmem>>
      %dma_wait3A_368 = tpu.memref_squeeze %dma_wait3A_367 : memref<1x128xi32, #tpu.memory_space<vmem>> -> memref<128xi32, #tpu.memory_space<vmem>>
      %dma_wait3A_369 = arith.constant 0 : i32
      %dma_wait3A_370 = arith.constant 0 : i32
      %dma_wait3A_371 = tpu.memref_slice %arg3[%dma_wait3A_369, %dma_wait3A_370] : memref<1000000x64xf32, #tpu.memory_space<hbm>> -> memref<1000000x64xf32, #tpu.memory_space<hbm>>
      tpu.wait_indirect_dma semaphore(%arg23 : memref<!tpu.dma_semaphore, #tpu.memory_space<semaphore_mem>>) src(%dma_wait3A_371 : memref<1000000x64xf32, #tpu.memory_space<hbm>>) dst(%arg13 : memref<128x64xf32, #tpu.memory_space<vmem>>)
      %sub3A_372 = arith.constant 5 : i32
      %sub3A_373 = arith.subi %add3A_351, %sub3A_372 : i32
      %dma_start3A_374 = arith.constant 0 : i32
      %dma_start3A_375 = tpu.memref_slice %arg4[%mul3A_2, %sub3A_373, %dma_start3A_374] : memref<4096x200x64xf32, #tpu.memory_space<hbm>> -> memref<128x1x64xf32, #tpu.memory_space<hbm>>
      %dma_start3A_376 = tpu.memref_squeeze %dma_start3A_375 : memref<128x1x64xf32, #tpu.memory_space<hbm>> -> memref<128x64xf32, #tpu.memory_space<hbm>>
      %dma_start3A_377 = arith.constant 0 : i32
      %dma_start3A_378 = tpu.memref_slice %arg4[%mul3A_2, %sub3A_373, %dma_start3A_377] : memref<4096x200x64xf32, #tpu.memory_space<hbm>> -> memref<128x1x64xf32, #tpu.memory_space<hbm>>
      %dma_start3A_379 = tpu.memref_squeeze %dma_start3A_378 : memref<128x1x64xf32, #tpu.memory_space<hbm>> -> memref<128x64xf32, #tpu.memory_space<hbm>>
      tpu.enqueue_dma source(%arg13 : memref<128x64xf32, #tpu.memory_space<vmem>>) target(%dma_start3A_379 : memref<128x64xf32, #tpu.memory_space<hbm>>) target_semaphore(%arg33 : memref<!tpu.dma_semaphore, #tpu.memory_space<semaphore_mem>>)
      %add3A_380 = arith.constant 3 : i32
      %add3A_381 = arith.addi %mul3A_290, %add3A_380 : i32
      %dma_wait3A_382 = arith.constant 0 : i32
      %dma_wait3A_383 = arith.constant 0 : i32
      %dma_wait3A_384 = tpu.memref_slice %arg4[%mul3A_2, %dma_wait3A_382, %dma_wait3A_383] : memref<4096x200x64xf32, #tpu.memory_space<hbm>> -> memref<128x1x64xf32, #tpu.memory_space<hbm>>
      %dma_wait3A_385 = tpu.memref_squeeze %dma_wait3A_384 : memref<128x1x64xf32, #tpu.memory_space<hbm>> -> memref<128x64xf32, #tpu.memory_space<hbm>>
      %dma_wait3A_386 = arith.constant 0 : i32
      %dma_wait3A_387 = tpu.memref_slice %arg4[%mul3A_2, %dma_wait3A_382, %dma_wait3A_386] : memref<4096x200x64xf32, #tpu.memory_space<hbm>> -> memref<128x1x64xf32, #tpu.memory_space<hbm>>
      %dma_wait3A_388 = tpu.memref_squeeze %dma_wait3A_387 : memref<128x1x64xf32, #tpu.memory_space<hbm>> -> memref<128x64xf32, #tpu.memory_space<hbm>>
      tpu.wait_dma2 semaphore(%arg29 : memref<!tpu.dma_semaphore, #tpu.memory_space<semaphore_mem>>) src(%arg9 : memref<128x64xf32, #tpu.memory_space<vmem>>) dst(%dma_wait3A_388 : memref<128x64xf32, #tpu.memory_space<hbm>>)
      %dma_start3A_389 = arith.constant 0 : i32
      %dma_start3A_390 = tpu.memref_slice %arg5[%add3A_381, %dma_start3A_389] : memref<200x128xi32, #tpu.memory_space<vmem>> -> memref<1x128xi32, #tpu.memory_space<vmem>>
      %dma_start3A_391 = tpu.memref_squeeze %dma_start3A_390 : memref<1x128xi32, #tpu.memory_space<vmem>> -> memref<128xi32, #tpu.memory_space<vmem>>
      %dma_start3A_392 = arith.constant 0 : i32
      %dma_start3A_393 = arith.constant 0 : i32
      %dma_start3A_394 = tpu.memref_slice %arg3[%dma_start3A_392, %dma_start3A_393] : memref<1000000x64xf32, #tpu.memory_space<hbm>> -> memref<1000000x64xf32, #tpu.memory_space<hbm>>
      tpu.enqueue_indirect_dma source(%dma_start3A_394 : memref<1000000x64xf32, #tpu.memory_space<hbm>>) target(%arg9 : memref<128x64xf32, #tpu.memory_space<vmem>>) offsets(%dma_start3A_391 : memref<128xi32, #tpu.memory_space<vmem>>) semaphore(%arg19 : memref<!tpu.dma_semaphore, #tpu.memory_space<semaphore_mem>>)
      %dma_wait3A_395 = arith.constant 0 : i32
      %dma_wait3A_396 = arith.constant 0 : i32
      %dma_wait3A_397 = tpu.memref_slice %arg5[%dma_wait3A_395, %dma_wait3A_396] : memref<200x128xi32, #tpu.memory_space<vmem>> -> memref<1x128xi32, #tpu.memory_space<vmem>>
      %dma_wait3A_398 = tpu.memref_squeeze %dma_wait3A_397 : memref<1x128xi32, #tpu.memory_space<vmem>> -> memref<128xi32, #tpu.memory_space<vmem>>
      %dma_wait3A_399 = arith.constant 0 : i32
      %dma_wait3A_400 = arith.constant 0 : i32
      %dma_wait3A_401 = tpu.memref_slice %arg3[%dma_wait3A_399, %dma_wait3A_400] : memref<1000000x64xf32, #tpu.memory_space<hbm>> -> memref<1000000x64xf32, #tpu.memory_space<hbm>>
      tpu.wait_indirect_dma semaphore(%arg24 : memref<!tpu.dma_semaphore, #tpu.memory_space<semaphore_mem>>) src(%dma_wait3A_401 : memref<1000000x64xf32, #tpu.memory_space<hbm>>) dst(%arg14 : memref<128x64xf32, #tpu.memory_space<vmem>>)
      %sub3A_402 = arith.constant 5 : i32
      %sub3A_403 = arith.subi %add3A_381, %sub3A_402 : i32
      %dma_start3A_404 = arith.constant 0 : i32
      %dma_start3A_405 = tpu.memref_slice %arg4[%mul3A_2, %sub3A_403, %dma_start3A_404] : memref<4096x200x64xf32, #tpu.memory_space<hbm>> -> memref<128x1x64xf32, #tpu.memory_space<hbm>>
      %dma_start3A_406 = tpu.memref_squeeze %dma_start3A_405 : memref<128x1x64xf32, #tpu.memory_space<hbm>> -> memref<128x64xf32, #tpu.memory_space<hbm>>
      %dma_start3A_407 = arith.constant 0 : i32
      %dma_start3A_408 = tpu.memref_slice %arg4[%mul3A_2, %sub3A_403, %dma_start3A_407] : memref<4096x200x64xf32, #tpu.memory_space<hbm>> -> memref<128x1x64xf32, #tpu.memory_space<hbm>>
      %dma_start3A_409 = tpu.memref_squeeze %dma_start3A_408 : memref<128x1x64xf32, #tpu.memory_space<hbm>> -> memref<128x64xf32, #tpu.memory_space<hbm>>
      tpu.enqueue_dma source(%arg14 : memref<128x64xf32, #tpu.memory_space<vmem>>) target(%dma_start3A_409 : memref<128x64xf32, #tpu.memory_space<hbm>>) target_semaphore(%arg34 : memref<!tpu.dma_semaphore, #tpu.memory_space<semaphore_mem>>)
      %add3A_410 = arith.constant 4 : i32
      %add3A_411 = arith.addi %mul3A_290, %add3A_410 : i32
      %dma_wait3A_412 = arith.constant 0 : i32
      %dma_wait3A_413 = arith.constant 0 : i32
      %dma_wait3A_414 = tpu.memref_slice %arg4[%mul3A_2, %dma_wait3A_412, %dma_wait3A_413] : memref<4096x200x64xf32, #tpu.memory_space<hbm>> -> memref<128x1x64xf32, #tpu.memory_space<hbm>>
      %dma_wait3A_415 = tpu.memref_squeeze %dma_wait3A_414 : memref<128x1x64xf32, #tpu.memory_space<hbm>> -> memref<128x64xf32, #tpu.memory_space<hbm>>
      %dma_wait3A_416 = arith.constant 0 : i32
      %dma_wait3A_417 = tpu.memref_slice %arg4[%mul3A_2, %dma_wait3A_412, %dma_wait3A_416] : memref<4096x200x64xf32, #tpu.memory_space<hbm>> -> memref<128x1x64xf32, #tpu.memory_space<hbm>>
      %dma_wait3A_418 = tpu.memref_squeeze %dma_wait3A_417 : memref<128x1x64xf32, #tpu.memory_space<hbm>> -> memref<128x64xf32, #tpu.memory_space<hbm>>
      tpu.wait_dma2 semaphore(%arg30 : memref<!tpu.dma_semaphore, #tpu.memory_space<semaphore_mem>>) src(%arg10 : memref<128x64xf32, #tpu.memory_space<vmem>>) dst(%dma_wait3A_418 : memref<128x64xf32, #tpu.memory_space<hbm>>)
      %dma_start3A_419 = arith.constant 0 : i32
      %dma_start3A_420 = tpu.memref_slice %arg5[%add3A_411, %dma_start3A_419] : memref<200x128xi32, #tpu.memory_space<vmem>> -> memref<1x128xi32, #tpu.memory_space<vmem>>
      %dma_start3A_421 = tpu.memref_squeeze %dma_start3A_420 : memref<1x128xi32, #tpu.memory_space<vmem>> -> memref<128xi32, #tpu.memory_space<vmem>>
      %dma_start3A_422 = arith.constant 0 : i32
      %dma_start3A_423 = arith.constant 0 : i32
      %dma_start3A_424 = tpu.memref_slice %arg3[%dma_start3A_422, %dma_start3A_423] : memref<1000000x64xf32, #tpu.memory_space<hbm>> -> memref<1000000x64xf32, #tpu.memory_space<hbm>>
      tpu.enqueue_indirect_dma source(%dma_start3A_424 : memref<1000000x64xf32, #tpu.memory_space<hbm>>) target(%arg10 : memref<128x64xf32, #tpu.memory_space<vmem>>) offsets(%dma_start3A_421 : memref<128xi32, #tpu.memory_space<vmem>>) semaphore(%arg20 : memref<!tpu.dma_semaphore, #tpu.memory_space<semaphore_mem>>)
      %dma_wait3A_425 = arith.constant 0 : i32
      %dma_wait3A_426 = arith.constant 0 : i32
      %dma_wait3A_427 = tpu.memref_slice %arg5[%dma_wait3A_425, %dma_wait3A_426] : memref<200x128xi32, #tpu.memory_space<vmem>> -> memref<1x128xi32, #tpu.memory_space<vmem>>
      %dma_wait3A_428 = tpu.memref_squeeze %dma_wait3A_427 : memref<1x128xi32, #tpu.memory_space<vmem>> -> memref<128xi32, #tpu.memory_space<vmem>>
      %dma_wait3A_429 = arith.constant 0 : i32
      %dma_wait3A_430 = arith.constant 0 : i32
      %dma_wait3A_431 = tpu.memref_slice %arg3[%dma_wait3A_429, %dma_wait3A_430] : memref<1000000x64xf32, #tpu.memory_space<hbm>> -> memref<1000000x64xf32, #tpu.memory_space<hbm>>
      tpu.wait_indirect_dma semaphore(%arg25 : memref<!tpu.dma_semaphore, #tpu.memory_space<semaphore_mem>>) src(%dma_wait3A_431 : memref<1000000x64xf32, #tpu.memory_space<hbm>>) dst(%arg15 : memref<128x64xf32, #tpu.memory_space<vmem>>)
      %sub3A_432 = arith.constant 5 : i32
      %sub3A_433 = arith.subi %add3A_411, %sub3A_432 : i32
      %dma_start3A_434 = arith.constant 0 : i32
      %dma_start3A_435 = tpu.memref_slice %arg4[%mul3A_2, %sub3A_433, %dma_start3A_434] : memref<4096x200x64xf32, #tpu.memory_space<hbm>> -> memref<128x1x64xf32, #tpu.memory_space<hbm>>
      %dma_start3A_436 = tpu.memref_squeeze %dma_start3A_435 : memref<128x1x64xf32, #tpu.memory_space<hbm>> -> memref<128x64xf32, #tpu.memory_space<hbm>>
      %dma_start3A_437 = arith.constant 0 : i32
      %dma_start3A_438 = tpu.memref_slice %arg4[%mul3A_2, %sub3A_433, %dma_start3A_437] : memref<4096x200x64xf32, #tpu.memory_space<hbm>> -> memref<128x1x64xf32, #tpu.memory_space<hbm>>
      %dma_start3A_439 = tpu.memref_squeeze %dma_start3A_438 : memref<128x1x64xf32, #tpu.memory_space<hbm>> -> memref<128x64xf32, #tpu.memory_space<hbm>>
      tpu.enqueue_dma source(%arg15 : memref<128x64xf32, #tpu.memory_space<vmem>>) target(%dma_start3A_439 : memref<128x64xf32, #tpu.memory_space<hbm>>) target_semaphore(%arg35 : memref<!tpu.dma_semaphore, #tpu.memory_space<semaphore_mem>>)
      %add3A_440 = arith.constant 5 : i32
      %add3A_441 = arith.addi %mul3A_290, %add3A_440 : i32
      %dma_wait3A_442 = arith.constant 0 : i32
      %dma_wait3A_443 = arith.constant 0 : i32
      %dma_wait3A_444 = tpu.memref_slice %arg4[%mul3A_2, %dma_wait3A_442, %dma_wait3A_443] : memref<4096x200x64xf32, #tpu.memory_space<hbm>> -> memref<128x1x64xf32, #tpu.memory_space<hbm>>
      %dma_wait3A_445 = tpu.memref_squeeze %dma_wait3A_444 : memref<128x1x64xf32, #tpu.memory_space<hbm>> -> memref<128x64xf32, #tpu.memory_space<hbm>>
      %dma_wait3A_446 = arith.constant 0 : i32
      %dma_wait3A_447 = tpu.memref_slice %arg4[%mul3A_2, %dma_wait3A_442, %dma_wait3A_446] : memref<4096x200x64xf32, #tpu.memory_space<hbm>> -> memref<128x1x64xf32, #tpu.memory_space<hbm>>
      %dma_wait3A_448 = tpu.memref_squeeze %dma_wait3A_447 : memref<128x1x64xf32, #tpu.memory_space<hbm>> -> memref<128x64xf32, #tpu.memory_space<hbm>>
      tpu.wait_dma2 semaphore(%arg31 : memref<!tpu.dma_semaphore, #tpu.memory_space<semaphore_mem>>) src(%arg11 : memref<128x64xf32, #tpu.memory_space<vmem>>) dst(%dma_wait3A_448 : memref<128x64xf32, #tpu.memory_space<hbm>>)
      %dma_start3A_449 = arith.constant 0 : i32
      %dma_start3A_450 = tpu.memref_slice %arg5[%add3A_441, %dma_start3A_449] : memref<200x128xi32, #tpu.memory_space<vmem>> -> memref<1x128xi32, #tpu.memory_space<vmem>>
      %dma_start3A_451 = tpu.memref_squeeze %dma_start3A_450 : memref<1x128xi32, #tpu.memory_space<vmem>> -> memref<128xi32, #tpu.memory_space<vmem>>
      %dma_start3A_452 = arith.constant 0 : i32
      %dma_start3A_453 = arith.constant 0 : i32
      %dma_start3A_454 = tpu.memref_slice %arg3[%dma_start3A_452, %dma_start3A_453] : memref<1000000x64xf32, #tpu.memory_space<hbm>> -> memref<1000000x64xf32, #tpu.memory_space<hbm>>
      tpu.enqueue_indirect_dma source(%dma_start3A_454 : memref<1000000x64xf32, #tpu.memory_space<hbm>>) target(%arg11 : memref<128x64xf32, #tpu.memory_space<vmem>>) offsets(%dma_start3A_451 : memref<128xi32, #tpu.memory_space<vmem>>) semaphore(%arg21 : memref<!tpu.dma_semaphore, #tpu.memory_space<semaphore_mem>>)
      %dma_wait3A_455 = arith.constant 0 : i32
      %dma_wait3A_456 = arith.constant 0 : i32
      %dma_wait3A_457 = tpu.memref_slice %arg5[%dma_wait3A_455, %dma_wait3A_456] : memref<200x128xi32, #tpu.memory_space<vmem>> -> memref<1x128xi32, #tpu.memory_space<vmem>>
      %dma_wait3A_458 = tpu.memref_squeeze %dma_wait3A_457 : memref<1x128xi32, #tpu.memory_space<vmem>> -> memref<128xi32, #tpu.memory_space<vmem>>
      %dma_wait3A_459 = arith.constant 0 : i32
      %dma_wait3A_460 = arith.constant 0 : i32
      %dma_wait3A_461 = tpu.memref_slice %arg3[%dma_wait3A_459, %dma_wait3A_460] : memref<1000000x64xf32, #tpu.memory_space<hbm>> -> memref<1000000x64xf32, #tpu.memory_space<hbm>>
      tpu.wait_indirect_dma semaphore(%arg16 : memref<!tpu.dma_semaphore, #tpu.memory_space<semaphore_mem>>) src(%dma_wait3A_461 : memref<1000000x64xf32, #tpu.memory_space<hbm>>) dst(%arg6 : memref<128x64xf32, #tpu.memory_space<vmem>>)
      %sub3A_462 = arith.constant 5 : i32
      %sub3A_463 = arith.subi %add3A_441, %sub3A_462 : i32
      %dma_start3A_464 = arith.constant 0 : i32
      %dma_start3A_465 = tpu.memref_slice %arg4[%mul3A_2, %sub3A_463, %dma_start3A_464] : memref<4096x200x64xf32, #tpu.memory_space<hbm>> -> memref<128x1x64xf32, #tpu.memory_space<hbm>>
      %dma_start3A_466 = tpu.memref_squeeze %dma_start3A_465 : memref<128x1x64xf32, #tpu.memory_space<hbm>> -> memref<128x64xf32, #tpu.memory_space<hbm>>
      %dma_start3A_467 = arith.constant 0 : i32
      %dma_start3A_468 = tpu.memref_slice %arg4[%mul3A_2, %sub3A_463, %dma_start3A_467] : memref<4096x200x64xf32, #tpu.memory_space<hbm>> -> memref<128x1x64xf32, #tpu.memory_space<hbm>>
      %dma_start3A_469 = tpu.memref_squeeze %dma_start3A_468 : memref<128x1x64xf32, #tpu.memory_space<hbm>> -> memref<128x64xf32, #tpu.memory_space<hbm>>
      tpu.enqueue_dma source(%arg6 : memref<128x64xf32, #tpu.memory_space<vmem>>) target(%dma_start3A_469 : memref<128x64xf32, #tpu.memory_space<hbm>>) target_semaphore(%arg26 : memref<!tpu.dma_semaphore, #tpu.memory_space<semaphore_mem>>)
      %add3A_470 = arith.constant 6 : i32
      %add3A_471 = arith.addi %mul3A_290, %add3A_470 : i32
      %dma_wait3A_472 = arith.constant 0 : i32
      %dma_wait3A_473 = arith.constant 0 : i32
      %dma_wait3A_474 = tpu.memref_slice %arg4[%mul3A_2, %dma_wait3A_472, %dma_wait3A_473] : memref<4096x200x64xf32, #tpu.memory_space<hbm>> -> memref<128x1x64xf32, #tpu.memory_space<hbm>>
      %dma_wait3A_475 = tpu.memref_squeeze %dma_wait3A_474 : memref<128x1x64xf32, #tpu.memory_space<hbm>> -> memref<128x64xf32, #tpu.memory_space<hbm>>
      %dma_wait3A_476 = arith.constant 0 : i32
      %dma_wait3A_477 = tpu.memref_slice %arg4[%mul3A_2, %dma_wait3A_472, %dma_wait3A_476] : memref<4096x200x64xf32, #tpu.memory_space<hbm>> -> memref<128x1x64xf32, #tpu.memory_space<hbm>>
      %dma_wait3A_478 = tpu.memref_squeeze %dma_wait3A_477 : memref<128x1x64xf32, #tpu.memory_space<hbm>> -> memref<128x64xf32, #tpu.memory_space<hbm>>
      tpu.wait_dma2 semaphore(%arg32 : memref<!tpu.dma_semaphore, #tpu.memory_space<semaphore_mem>>) src(%arg12 : memref<128x64xf32, #tpu.memory_space<vmem>>) dst(%dma_wait3A_478 : memref<128x64xf32, #tpu.memory_space<hbm>>)
      %dma_start3A_479 = arith.constant 0 : i32
      %dma_start3A_480 = tpu.memref_slice %arg5[%add3A_471, %dma_start3A_479] : memref<200x128xi32, #tpu.memory_space<vmem>> -> memref<1x128xi32, #tpu.memory_space<vmem>>
      %dma_start3A_481 = tpu.memref_squeeze %dma_start3A_480 : memref<1x128xi32, #tpu.memory_space<vmem>> -> memref<128xi32, #tpu.memory_space<vmem>>
      %dma_start3A_482 = arith.constant 0 : i32
      %dma_start3A_483 = arith.constant 0 : i32
      %dma_start3A_484 = tpu.memref_slice %arg3[%dma_start3A_482, %dma_start3A_483] : memref<1000000x64xf32, #tpu.memory_space<hbm>> -> memref<1000000x64xf32, #tpu.memory_space<hbm>>
      tpu.enqueue_indirect_dma source(%dma_start3A_484 : memref<1000000x64xf32, #tpu.memory_space<hbm>>) target(%arg12 : memref<128x64xf32, #tpu.memory_space<vmem>>) offsets(%dma_start3A_481 : memref<128xi32, #tpu.memory_space<vmem>>) semaphore(%arg22 : memref<!tpu.dma_semaphore, #tpu.memory_space<semaphore_mem>>)
      %dma_wait3A_485 = arith.constant 0 : i32
      %dma_wait3A_486 = arith.constant 0 : i32
      %dma_wait3A_487 = tpu.memref_slice %arg5[%dma_wait3A_485, %dma_wait3A_486] : memref<200x128xi32, #tpu.memory_space<vmem>> -> memref<1x128xi32, #tpu.memory_space<vmem>>
      %dma_wait3A_488 = tpu.memref_squeeze %dma_wait3A_487 : memref<1x128xi32, #tpu.memory_space<vmem>> -> memref<128xi32, #tpu.memory_space<vmem>>
      %dma_wait3A_489 = arith.constant 0 : i32
      %dma_wait3A_490 = arith.constant 0 : i32
      %dma_wait3A_491 = tpu.memref_slice %arg3[%dma_wait3A_489, %dma_wait3A_490] : memref<1000000x64xf32, #tpu.memory_space<hbm>> -> memref<1000000x64xf32, #tpu.memory_space<hbm>>
      tpu.wait_indirect_dma semaphore(%arg17 : memref<!tpu.dma_semaphore, #tpu.memory_space<semaphore_mem>>) src(%dma_wait3A_491 : memref<1000000x64xf32, #tpu.memory_space<hbm>>) dst(%arg7 : memref<128x64xf32, #tpu.memory_space<vmem>>)
      %sub3A_492 = arith.constant 5 : i32
      %sub3A_493 = arith.subi %add3A_471, %sub3A_492 : i32
      %dma_start3A_494 = arith.constant 0 : i32
      %dma_start3A_495 = tpu.memref_slice %arg4[%mul3A_2, %sub3A_493, %dma_start3A_494] : memref<4096x200x64xf32, #tpu.memory_space<hbm>> -> memref<128x1x64xf32, #tpu.memory_space<hbm>>
      %dma_start3A_496 = tpu.memref_squeeze %dma_start3A_495 : memref<128x1x64xf32, #tpu.memory_space<hbm>> -> memref<128x64xf32, #tpu.memory_space<hbm>>
      %dma_start3A_497 = arith.constant 0 : i32
      %dma_start3A_498 = tpu.memref_slice %arg4[%mul3A_2, %sub3A_493, %dma_start3A_497] : memref<4096x200x64xf32, #tpu.memory_space<hbm>> -> memref<128x1x64xf32, #tpu.memory_space<hbm>>
      %dma_start3A_499 = tpu.memref_squeeze %dma_start3A_498 : memref<128x1x64xf32, #tpu.memory_space<hbm>> -> memref<128x64xf32, #tpu.memory_space<hbm>>
      tpu.enqueue_dma source(%arg7 : memref<128x64xf32, #tpu.memory_space<vmem>>) target(%dma_start3A_499 : memref<128x64xf32, #tpu.memory_space<hbm>>) target_semaphore(%arg27 : memref<!tpu.dma_semaphore, #tpu.memory_space<semaphore_mem>>)
      %add3A_500 = arith.constant 7 : i32
      %add3A_501 = arith.addi %mul3A_290, %add3A_500 : i32
      %dma_wait3A_502 = arith.constant 0 : i32
      %dma_wait3A_503 = arith.constant 0 : i32
      %dma_wait3A_504 = tpu.memref_slice %arg4[%mul3A_2, %dma_wait3A_502, %dma_wait3A_503] : memref<4096x200x64xf32, #tpu.memory_space<hbm>> -> memref<128x1x64xf32, #tpu.memory_space<hbm>>
      %dma_wait3A_505 = tpu.memref_squeeze %dma_wait3A_504 : memref<128x1x64xf32, #tpu.memory_space<hbm>> -> memref<128x64xf32, #tpu.memory_space<hbm>>
      %dma_wait3A_506 = arith.constant 0 : i32
      %dma_wait3A_507 = tpu.memref_slice %arg4[%mul3A_2, %dma_wait3A_502, %dma_wait3A_506] : memref<4096x200x64xf32, #tpu.memory_space<hbm>> -> memref<128x1x64xf32, #tpu.memory_space<hbm>>
      %dma_wait3A_508 = tpu.memref_squeeze %dma_wait3A_507 : memref<128x1x64xf32, #tpu.memory_space<hbm>> -> memref<128x64xf32, #tpu.memory_space<hbm>>
      tpu.wait_dma2 semaphore(%arg33 : memref<!tpu.dma_semaphore, #tpu.memory_space<semaphore_mem>>) src(%arg13 : memref<128x64xf32, #tpu.memory_space<vmem>>) dst(%dma_wait3A_508 : memref<128x64xf32, #tpu.memory_space<hbm>>)
      %dma_start3A_509 = arith.constant 0 : i32
      %dma_start3A_510 = tpu.memref_slice %arg5[%add3A_501, %dma_start3A_509] : memref<200x128xi32, #tpu.memory_space<vmem>> -> memref<1x128xi32, #tpu.memory_space<vmem>>
      %dma_start3A_511 = tpu.memref_squeeze %dma_start3A_510 : memref<1x128xi32, #tpu.memory_space<vmem>> -> memref<128xi32, #tpu.memory_space<vmem>>
      %dma_start3A_512 = arith.constant 0 : i32
      %dma_start3A_513 = arith.constant 0 : i32
      %dma_start3A_514 = tpu.memref_slice %arg3[%dma_start3A_512, %dma_start3A_513] : memref<1000000x64xf32, #tpu.memory_space<hbm>> -> memref<1000000x64xf32, #tpu.memory_space<hbm>>
      tpu.enqueue_indirect_dma source(%dma_start3A_514 : memref<1000000x64xf32, #tpu.memory_space<hbm>>) target(%arg13 : memref<128x64xf32, #tpu.memory_space<vmem>>) offsets(%dma_start3A_511 : memref<128xi32, #tpu.memory_space<vmem>>) semaphore(%arg23 : memref<!tpu.dma_semaphore, #tpu.memory_space<semaphore_mem>>)
      %dma_wait3A_515 = arith.constant 0 : i32
      %dma_wait3A_516 = arith.constant 0 : i32
      %dma_wait3A_517 = tpu.memref_slice %arg5[%dma_wait3A_515, %dma_wait3A_516] : memref<200x128xi32, #tpu.memory_space<vmem>> -> memref<1x128xi32, #tpu.memory_space<vmem>>
      %dma_wait3A_518 = tpu.memref_squeeze %dma_wait3A_517 : memref<1x128xi32, #tpu.memory_space<vmem>> -> memref<128xi32, #tpu.memory_space<vmem>>
      %dma_wait3A_519 = arith.constant 0 : i32
      %dma_wait3A_520 = arith.constant 0 : i32
      %dma_wait3A_521 = tpu.memref_slice %arg3[%dma_wait3A_519, %dma_wait3A_520] : memref<1000000x64xf32, #tpu.memory_space<hbm>> -> memref<1000000x64xf32, #tpu.memory_space<hbm>>
      tpu.wait_indirect_dma semaphore(%arg18 : memref<!tpu.dma_semaphore, #tpu.memory_space<semaphore_mem>>) src(%dma_wait3A_521 : memref<1000000x64xf32, #tpu.memory_space<hbm>>) dst(%arg8 : memref<128x64xf32, #tpu.memory_space<vmem>>)
      %sub3A_522 = arith.constant 5 : i32
      %sub3A_523 = arith.subi %add3A_501, %sub3A_522 : i32
      %dma_start3A_524 = arith.constant 0 : i32
      %dma_start3A_525 = tpu.memref_slice %arg4[%mul3A_2, %sub3A_523, %dma_start3A_524] : memref<4096x200x64xf32, #tpu.memory_space<hbm>> -> memref<128x1x64xf32, #tpu.memory_space<hbm>>
      %dma_start3A_526 = tpu.memref_squeeze %dma_start3A_525 : memref<128x1x64xf32, #tpu.memory_space<hbm>> -> memref<128x64xf32, #tpu.memory_space<hbm>>
      %dma_start3A_527 = arith.constant 0 : i32
      %dma_start3A_528 = tpu.memref_slice %arg4[%mul3A_2, %sub3A_523, %dma_start3A_527] : memref<4096x200x64xf32, #tpu.memory_space<hbm>> -> memref<128x1x64xf32, #tpu.memory_space<hbm>>
      %dma_start3A_529 = tpu.memref_squeeze %dma_start3A_528 : memref<128x1x64xf32, #tpu.memory_space<hbm>> -> memref<128x64xf32, #tpu.memory_space<hbm>>
      tpu.enqueue_dma source(%arg8 : memref<128x64xf32, #tpu.memory_space<vmem>>) target(%dma_start3A_529 : memref<128x64xf32, #tpu.memory_space<hbm>>) target_semaphore(%arg28 : memref<!tpu.dma_semaphore, #tpu.memory_space<semaphore_mem>>)
      %add3A_530 = arith.constant 8 : i32
      %add3A_531 = arith.addi %mul3A_290, %add3A_530 : i32
      %dma_wait3A_532 = arith.constant 0 : i32
      %dma_wait3A_533 = arith.constant 0 : i32
      %dma_wait3A_534 = tpu.memref_slice %arg4[%mul3A_2, %dma_wait3A_532, %dma_wait3A_533] : memref<4096x200x64xf32, #tpu.memory_space<hbm>> -> memref<128x1x64xf32, #tpu.memory_space<hbm>>
      %dma_wait3A_535 = tpu.memref_squeeze %dma_wait3A_534 : memref<128x1x64xf32, #tpu.memory_space<hbm>> -> memref<128x64xf32, #tpu.memory_space<hbm>>
      %dma_wait3A_536 = arith.constant 0 : i32
      %dma_wait3A_537 = tpu.memref_slice %arg4[%mul3A_2, %dma_wait3A_532, %dma_wait3A_536] : memref<4096x200x64xf32, #tpu.memory_space<hbm>> -> memref<128x1x64xf32, #tpu.memory_space<hbm>>
      %dma_wait3A_538 = tpu.memref_squeeze %dma_wait3A_537 : memref<128x1x64xf32, #tpu.memory_space<hbm>> -> memref<128x64xf32, #tpu.memory_space<hbm>>
      tpu.wait_dma2 semaphore(%arg34 : memref<!tpu.dma_semaphore, #tpu.memory_space<semaphore_mem>>) src(%arg14 : memref<128x64xf32, #tpu.memory_space<vmem>>) dst(%dma_wait3A_538 : memref<128x64xf32, #tpu.memory_space<hbm>>)
      %dma_start3A_539 = arith.constant 0 : i32
      %dma_start3A_540 = tpu.memref_slice %arg5[%add3A_531, %dma_start3A_539] : memref<200x128xi32, #tpu.memory_space<vmem>> -> memref<1x128xi32, #tpu.memory_space<vmem>>
      %dma_start3A_541 = tpu.memref_squeeze %dma_start3A_540 : memref<1x128xi32, #tpu.memory_space<vmem>> -> memref<128xi32, #tpu.memory_space<vmem>>
      %dma_start3A_542 = arith.constant 0 : i32
      %dma_start3A_543 = arith.constant 0 : i32
      %dma_start3A_544 = tpu.memref_slice %arg3[%dma_start3A_542, %dma_start3A_543] : memref<1000000x64xf32, #tpu.memory_space<hbm>> -> memref<1000000x64xf32, #tpu.memory_space<hbm>>
      tpu.enqueue_indirect_dma source(%dma_start3A_544 : memref<1000000x64xf32, #tpu.memory_space<hbm>>) target(%arg14 : memref<128x64xf32, #tpu.memory_space<vmem>>) offsets(%dma_start3A_541 : memref<128xi32, #tpu.memory_space<vmem>>) semaphore(%arg24 : memref<!tpu.dma_semaphore, #tpu.memory_space<semaphore_mem>>)
      %dma_wait3A_545 = arith.constant 0 : i32
      %dma_wait3A_546 = arith.constant 0 : i32
      %dma_wait3A_547 = tpu.memref_slice %arg5[%dma_wait3A_545, %dma_wait3A_546] : memref<200x128xi32, #tpu.memory_space<vmem>> -> memref<1x128xi32, #tpu.memory_space<vmem>>
      %dma_wait3A_548 = tpu.memref_squeeze %dma_wait3A_547 : memref<1x128xi32, #tpu.memory_space<vmem>> -> memref<128xi32, #tpu.memory_space<vmem>>
      %dma_wait3A_549 = arith.constant 0 : i32
      %dma_wait3A_550 = arith.constant 0 : i32
      %dma_wait3A_551 = tpu.memref_slice %arg3[%dma_wait3A_549, %dma_wait3A_550] : memref<1000000x64xf32, #tpu.memory_space<hbm>> -> memref<1000000x64xf32, #tpu.memory_space<hbm>>
      tpu.wait_indirect_dma semaphore(%arg19 : memref<!tpu.dma_semaphore, #tpu.memory_space<semaphore_mem>>) src(%dma_wait3A_551 : memref<1000000x64xf32, #tpu.memory_space<hbm>>) dst(%arg9 : memref<128x64xf32, #tpu.memory_space<vmem>>)
      %sub3A_552 = arith.constant 5 : i32
      %sub3A_553 = arith.subi %add3A_531, %sub3A_552 : i32
      %dma_start3A_554 = arith.constant 0 : i32
      %dma_start3A_555 = tpu.memref_slice %arg4[%mul3A_2, %sub3A_553, %dma_start3A_554] : memref<4096x200x64xf32, #tpu.memory_space<hbm>> -> memref<128x1x64xf32, #tpu.memory_space<hbm>>
      %dma_start3A_556 = tpu.memref_squeeze %dma_start3A_555 : memref<128x1x64xf32, #tpu.memory_space<hbm>> -> memref<128x64xf32, #tpu.memory_space<hbm>>
      %dma_start3A_557 = arith.constant 0 : i32
      %dma_start3A_558 = tpu.memref_slice %arg4[%mul3A_2, %sub3A_553, %dma_start3A_557] : memref<4096x200x64xf32, #tpu.memory_space<hbm>> -> memref<128x1x64xf32, #tpu.memory_space<hbm>>
      %dma_start3A_559 = tpu.memref_squeeze %dma_start3A_558 : memref<128x1x64xf32, #tpu.memory_space<hbm>> -> memref<128x64xf32, #tpu.memory_space<hbm>>
      tpu.enqueue_dma source(%arg9 : memref<128x64xf32, #tpu.memory_space<vmem>>) target(%dma_start3A_559 : memref<128x64xf32, #tpu.memory_space<hbm>>) target_semaphore(%arg29 : memref<!tpu.dma_semaphore, #tpu.memory_space<semaphore_mem>>)
      %add3A_560 = arith.constant 9 : i32
      %add3A_561 = arith.addi %mul3A_290, %add3A_560 : i32
      %dma_wait3A_562 = arith.constant 0 : i32
      %dma_wait3A_563 = arith.constant 0 : i32
      %dma_wait3A_564 = tpu.memref_slice %arg4[%mul3A_2, %dma_wait3A_562, %dma_wait3A_563] : memref<4096x200x64xf32, #tpu.memory_space<hbm>> -> memref<128x1x64xf32, #tpu.memory_space<hbm>>
      %dma_wait3A_565 = tpu.memref_squeeze %dma_wait3A_564 : memref<128x1x64xf32, #tpu.memory_space<hbm>> -> memref<128x64xf32, #tpu.memory_space<hbm>>
      %dma_wait3A_566 = arith.constant 0 : i32
      %dma_wait3A_567 = tpu.memref_slice %arg4[%mul3A_2, %dma_wait3A_562, %dma_wait3A_566] : memref<4096x200x64xf32, #tpu.memory_space<hbm>> -> memref<128x1x64xf32, #tpu.memory_space<hbm>>
      %dma_wait3A_568 = tpu.memref_squeeze %dma_wait3A_567 : memref<128x1x64xf32, #tpu.memory_space<hbm>> -> memref<128x64xf32, #tpu.memory_space<hbm>>
      tpu.wait_dma2 semaphore(%arg35 : memref<!tpu.dma_semaphore, #tpu.memory_space<semaphore_mem>>) src(%arg15 : memref<128x64xf32, #tpu.memory_space<vmem>>) dst(%dma_wait3A_568 : memref<128x64xf32, #tpu.memory_space<hbm>>)
      %dma_start3A_569 = arith.constant 0 : i32
      %dma_start3A_570 = tpu.memref_slice %arg5[%add3A_561, %dma_start3A_569] : memref<200x128xi32, #tpu.memory_space<vmem>> -> memref<1x128xi32, #tpu.memory_space<vmem>>
      %dma_start3A_571 = tpu.memref_squeeze %dma_start3A_570 : memref<1x128xi32, #tpu.memory_space<vmem>> -> memref<128xi32, #tpu.memory_space<vmem>>
      %dma_start3A_572 = arith.constant 0 : i32
      %dma_start3A_573 = arith.constant 0 : i32
      %dma_start3A_574 = tpu.memref_slice %arg3[%dma_start3A_572, %dma_start3A_573] : memref<1000000x64xf32, #tpu.memory_space<hbm>> -> memref<1000000x64xf32, #tpu.memory_space<hbm>>
      tpu.enqueue_indirect_dma source(%dma_start3A_574 : memref<1000000x64xf32, #tpu.memory_space<hbm>>) target(%arg15 : memref<128x64xf32, #tpu.memory_space<vmem>>) offsets(%dma_start3A_571 : memref<128xi32, #tpu.memory_space<vmem>>) semaphore(%arg25 : memref<!tpu.dma_semaphore, #tpu.memory_space<semaphore_mem>>)
      %dma_wait3A_575 = arith.constant 0 : i32
      %dma_wait3A_576 = arith.constant 0 : i32
      %dma_wait3A_577 = tpu.memref_slice %arg5[%dma_wait3A_575, %dma_wait3A_576] : memref<200x128xi32, #tpu.memory_space<vmem>> -> memref<1x128xi32, #tpu.memory_space<vmem>>
      %dma_wait3A_578 = tpu.memref_squeeze %dma_wait3A_577 : memref<1x128xi32, #tpu.memory_space<vmem>> -> memref<128xi32, #tpu.memory_space<vmem>>
      %dma_wait3A_579 = arith.constant 0 : i32
      %dma_wait3A_580 = arith.constant 0 : i32
      %dma_wait3A_581 = tpu.memref_slice %arg3[%dma_wait3A_579, %dma_wait3A_580] : memref<1000000x64xf32, #tpu.memory_space<hbm>> -> memref<1000000x64xf32, #tpu.memory_space<hbm>>
      tpu.wait_indirect_dma semaphore(%arg20 : memref<!tpu.dma_semaphore, #tpu.memory_space<semaphore_mem>>) src(%dma_wait3A_581 : memref<1000000x64xf32, #tpu.memory_space<hbm>>) dst(%arg10 : memref<128x64xf32, #tpu.memory_space<vmem>>)
      %sub3A_582 = arith.constant 5 : i32
      %sub3A_583 = arith.subi %add3A_561, %sub3A_582 : i32
      %dma_start3A_584 = arith.constant 0 : i32
      %dma_start3A_585 = tpu.memref_slice %arg4[%mul3A_2, %sub3A_583, %dma_start3A_584] : memref<4096x200x64xf32, #tpu.memory_space<hbm>> -> memref<128x1x64xf32, #tpu.memory_space<hbm>>
      %dma_start3A_586 = tpu.memref_squeeze %dma_start3A_585 : memref<128x1x64xf32, #tpu.memory_space<hbm>> -> memref<128x64xf32, #tpu.memory_space<hbm>>
      %dma_start3A_587 = arith.constant 0 : i32
      %dma_start3A_588 = tpu.memref_slice %arg4[%mul3A_2, %sub3A_583, %dma_start3A_587] : memref<4096x200x64xf32, #tpu.memory_space<hbm>> -> memref<128x1x64xf32, #tpu.memory_space<hbm>>
      %dma_start3A_589 = tpu.memref_squeeze %dma_start3A_588 : memref<128x1x64xf32, #tpu.memory_space<hbm>> -> memref<128x64xf32, #tpu.memory_space<hbm>>
      tpu.enqueue_dma source(%arg10 : memref<128x64xf32, #tpu.memory_space<vmem>>) target(%dma_start3A_589 : memref<128x64xf32, #tpu.memory_space<hbm>>) target_semaphore(%arg30 : memref<!tpu.dma_semaphore, #tpu.memory_space<semaphore_mem>>)
      %scan3A_590 = arith.constant 0 : i32
      scf.yield %scan3A_590 : i32
    }
    %scan3A_146 = arith.constant 19 : i32
    %dma_wait3A_147 = arith.constant 0 : i32
    %dma_wait3A_148 = arith.constant 0 : i32
    %dma_wait3A_149 = tpu.memref_slice %arg5[%dma_wait3A_147, %dma_wait3A_148] : memref<200x128xi32, #tpu.memory_space<vmem>> -> memref<1x128xi32, #tpu.memory_space<vmem>>
    %dma_wait3A_150 = tpu.memref_squeeze %dma_wait3A_149 : memref<1x128xi32, #tpu.memory_space<vmem>> -> memref<128xi32, #tpu.memory_space<vmem>>
    %dma_wait3A_151 = arith.constant 0 : i32
    %dma_wait3A_152 = arith.constant 0 : i32
    %dma_wait3A_153 = tpu.memref_slice %arg3[%dma_wait3A_151, %dma_wait3A_152] : memref<1000000x64xf32, #tpu.memory_space<hbm>> -> memref<1000000x64xf32, #tpu.memory_space<hbm>>
    tpu.wait_indirect_dma semaphore(%arg21 : memref<!tpu.dma_semaphore, #tpu.memory_space<semaphore_mem>>) src(%dma_wait3A_153 : memref<1000000x64xf32, #tpu.memory_space<hbm>>) dst(%arg11 : memref<128x64xf32, #tpu.memory_space<vmem>>)
    %dma_start3A_154 = arith.constant 195 : i32
    %dma_start3A_155 = arith.constant 0 : i32
    %dma_start3A_156 = tpu.memref_slice %arg4[%mul3A_2, %dma_start3A_154, %dma_start3A_155] : memref<4096x200x64xf32, #tpu.memory_space<hbm>> -> memref<128x1x64xf32, #tpu.memory_space<hbm>>
    %dma_start3A_157 = tpu.memref_squeeze %dma_start3A_156 : memref<128x1x64xf32, #tpu.memory_space<hbm>> -> memref<128x64xf32, #tpu.memory_space<hbm>>
    %dma_start3A_158 = arith.constant 0 : i32
    %dma_start3A_159 = tpu.memref_slice %arg4[%mul3A_2, %dma_start3A_154, %dma_start3A_158] : memref<4096x200x64xf32, #tpu.memory_space<hbm>> -> memref<128x1x64xf32, #tpu.memory_space<hbm>>
    %dma_start3A_160 = tpu.memref_squeeze %dma_start3A_159 : memref<128x1x64xf32, #tpu.memory_space<hbm>> -> memref<128x64xf32, #tpu.memory_space<hbm>>
    tpu.enqueue_dma source(%arg11 : memref<128x64xf32, #tpu.memory_space<vmem>>) target(%dma_start3A_160 : memref<128x64xf32, #tpu.memory_space<hbm>>) target_semaphore(%arg31 : memref<!tpu.dma_semaphore, #tpu.memory_space<semaphore_mem>>)
    %dma_wait3A_161 = arith.constant 0 : i32
    %dma_wait3A_162 = arith.constant 0 : i32
    %dma_wait3A_163 = tpu.memref_slice %arg5[%dma_wait3A_161, %dma_wait3A_162] : memref<200x128xi32, #tpu.memory_space<vmem>> -> memref<1x128xi32, #tpu.memory_space<vmem>>
    %dma_wait3A_164 = tpu.memref_squeeze %dma_wait3A_163 : memref<1x128xi32, #tpu.memory_space<vmem>> -> memref<128xi32, #tpu.memory_space<vmem>>
    %dma_wait3A_165 = arith.constant 0 : i32
    %dma_wait3A_166 = arith.constant 0 : i32
    %dma_wait3A_167 = tpu.memref_slice %arg3[%dma_wait3A_165, %dma_wait3A_166] : memref<1000000x64xf32, #tpu.memory_space<hbm>> -> memref<1000000x64xf32, #tpu.memory_space<hbm>>
    tpu.wait_indirect_dma semaphore(%arg22 : memref<!tpu.dma_semaphore, #tpu.memory_space<semaphore_mem>>) src(%dma_wait3A_167 : memref<1000000x64xf32, #tpu.memory_space<hbm>>) dst(%arg12 : memref<128x64xf32, #tpu.memory_space<vmem>>)
    %dma_start3A_168 = arith.constant 196 : i32
    %dma_start3A_169 = arith.constant 0 : i32
    %dma_start3A_170 = tpu.memref_slice %arg4[%mul3A_2, %dma_start3A_168, %dma_start3A_169] : memref<4096x200x64xf32, #tpu.memory_space<hbm>> -> memref<128x1x64xf32, #tpu.memory_space<hbm>>
    %dma_start3A_171 = tpu.memref_squeeze %dma_start3A_170 : memref<128x1x64xf32, #tpu.memory_space<hbm>> -> memref<128x64xf32, #tpu.memory_space<hbm>>
    %dma_start3A_172 = arith.constant 0 : i32
    %dma_start3A_173 = tpu.memref_slice %arg4[%mul3A_2, %dma_start3A_168, %dma_start3A_172] : memref<4096x200x64xf32, #tpu.memory_space<hbm>> -> memref<128x1x64xf32, #tpu.memory_space<hbm>>
    %dma_start3A_174 = tpu.memref_squeeze %dma_start3A_173 : memref<128x1x64xf32, #tpu.memory_space<hbm>> -> memref<128x64xf32, #tpu.memory_space<hbm>>
    tpu.enqueue_dma source(%arg12 : memref<128x64xf32, #tpu.memory_space<vmem>>) target(%dma_start3A_174 : memref<128x64xf32, #tpu.memory_space<hbm>>) target_semaphore(%arg32 : memref<!tpu.dma_semaphore, #tpu.memory_space<semaphore_mem>>)
    %dma_wait3A_175 = arith.constant 0 : i32
    %dma_wait3A_176 = arith.constant 0 : i32
    %dma_wait3A_177 = tpu.memref_slice %arg5[%dma_wait3A_175, %dma_wait3A_176] : memref<200x128xi32, #tpu.memory_space<vmem>> -> memref<1x128xi32, #tpu.memory_space<vmem>>
    %dma_wait3A_178 = tpu.memref_squeeze %dma_wait3A_177 : memref<1x128xi32, #tpu.memory_space<vmem>> -> memref<128xi32, #tpu.memory_space<vmem>>
    %dma_wait3A_179 = arith.constant 0 : i32
    %dma_wait3A_180 = arith.constant 0 : i32
    %dma_wait3A_181 = tpu.memref_slice %arg3[%dma_wait3A_179, %dma_wait3A_180] : memref<1000000x64xf32, #tpu.memory_space<hbm>> -> memref<1000000x64xf32, #tpu.memory_space<hbm>>
    tpu.wait_indirect_dma semaphore(%arg23 : memref<!tpu.dma_semaphore, #tpu.memory_space<semaphore_mem>>) src(%dma_wait3A_181 : memref<1000000x64xf32, #tpu.memory_space<hbm>>) dst(%arg13 : memref<128x64xf32, #tpu.memory_space<vmem>>)
    %dma_start3A_182 = arith.constant 197 : i32
    %dma_start3A_183 = arith.constant 0 : i32
    %dma_start3A_184 = tpu.memref_slice %arg4[%mul3A_2, %dma_start3A_182, %dma_start3A_183] : memref<4096x200x64xf32, #tpu.memory_space<hbm>> -> memref<128x1x64xf32, #tpu.memory_space<hbm>>
    %dma_start3A_185 = tpu.memref_squeeze %dma_start3A_184 : memref<128x1x64xf32, #tpu.memory_space<hbm>> -> memref<128x64xf32, #tpu.memory_space<hbm>>
    %dma_start3A_186 = arith.constant 0 : i32
    %dma_start3A_187 = tpu.memref_slice %arg4[%mul3A_2, %dma_start3A_182, %dma_start3A_186] : memref<4096x200x64xf32, #tpu.memory_space<hbm>> -> memref<128x1x64xf32, #tpu.memory_space<hbm>>
    %dma_start3A_188 = tpu.memref_squeeze %dma_start3A_187 : memref<128x1x64xf32, #tpu.memory_space<hbm>> -> memref<128x64xf32, #tpu.memory_space<hbm>>
    tpu.enqueue_dma source(%arg13 : memref<128x64xf32, #tpu.memory_space<vmem>>) target(%dma_start3A_188 : memref<128x64xf32, #tpu.memory_space<hbm>>) target_semaphore(%arg33 : memref<!tpu.dma_semaphore, #tpu.memory_space<semaphore_mem>>)
    %dma_wait3A_189 = arith.constant 0 : i32
    %dma_wait3A_190 = arith.constant 0 : i32
    %dma_wait3A_191 = tpu.memref_slice %arg5[%dma_wait3A_189, %dma_wait3A_190] : memref<200x128xi32, #tpu.memory_space<vmem>> -> memref<1x128xi32, #tpu.memory_space<vmem>>
    %dma_wait3A_192 = tpu.memref_squeeze %dma_wait3A_191 : memref<1x128xi32, #tpu.memory_space<vmem>> -> memref<128xi32, #tpu.memory_space<vmem>>
    %dma_wait3A_193 = arith.constant 0 : i32
    %dma_wait3A_194 = arith.constant 0 : i32
    %dma_wait3A_195 = tpu.memref_slice %arg3[%dma_wait3A_193, %dma_wait3A_194] : memref<1000000x64xf32, #tpu.memory_space<hbm>> -> memref<1000000x64xf32, #tpu.memory_space<hbm>>
    tpu.wait_indirect_dma semaphore(%arg24 : memref<!tpu.dma_semaphore, #tpu.memory_space<semaphore_mem>>) src(%dma_wait3A_195 : memref<1000000x64xf32, #tpu.memory_space<hbm>>) dst(%arg14 : memref<128x64xf32, #tpu.memory_space<vmem>>)
    %dma_start3A_196 = arith.constant 198 : i32
    %dma_start3A_197 = arith.constant 0 : i32
    %dma_start3A_198 = tpu.memref_slice %arg4[%mul3A_2, %dma_start3A_196, %dma_start3A_197] : memref<4096x200x64xf32, #tpu.memory_space<hbm>> -> memref<128x1x64xf32, #tpu.memory_space<hbm>>
    %dma_start3A_199 = tpu.memref_squeeze %dma_start3A_198 : memref<128x1x64xf32, #tpu.memory_space<hbm>> -> memref<128x64xf32, #tpu.memory_space<hbm>>
    %dma_start3A_200 = arith.constant 0 : i32
    %dma_start3A_201 = tpu.memref_slice %arg4[%mul3A_2, %dma_start3A_196, %dma_start3A_200] : memref<4096x200x64xf32, #tpu.memory_space<hbm>> -> memref<128x1x64xf32, #tpu.memory_space<hbm>>
    %dma_start3A_202 = tpu.memref_squeeze %dma_start3A_201 : memref<128x1x64xf32, #tpu.memory_space<hbm>> -> memref<128x64xf32, #tpu.memory_space<hbm>>
    tpu.enqueue_dma source(%arg14 : memref<128x64xf32, #tpu.memory_space<vmem>>) target(%dma_start3A_202 : memref<128x64xf32, #tpu.memory_space<hbm>>) target_semaphore(%arg34 : memref<!tpu.dma_semaphore, #tpu.memory_space<semaphore_mem>>)
    %dma_wait3A_203 = arith.constant 0 : i32
    %dma_wait3A_204 = arith.constant 0 : i32
    %dma_wait3A_205 = tpu.memref_slice %arg5[%dma_wait3A_203, %dma_wait3A_204] : memref<200x128xi32, #tpu.memory_space<vmem>> -> memref<1x128xi32, #tpu.memory_space<vmem>>
    %dma_wait3A_206 = tpu.memref_squeeze %dma_wait3A_205 : memref<1x128xi32, #tpu.memory_space<vmem>> -> memref<128xi32, #tpu.memory_space<vmem>>
    %dma_wait3A_207 = arith.constant 0 : i32
    %dma_wait3A_208 = arith.constant 0 : i32
    %dma_wait3A_209 = tpu.memref_slice %arg3[%dma_wait3A_207, %dma_wait3A_208] : memref<1000000x64xf32, #tpu.memory_space<hbm>> -> memref<1000000x64xf32, #tpu.memory_space<hbm>>
    tpu.wait_indirect_dma semaphore(%arg25 : memref<!tpu.dma_semaphore, #tpu.memory_space<semaphore_mem>>) src(%dma_wait3A_209 : memref<1000000x64xf32, #tpu.memory_space<hbm>>) dst(%arg15 : memref<128x64xf32, #tpu.memory_space<vmem>>)
    %dma_start3A_210 = arith.constant 199 : i32
    %dma_start3A_211 = arith.constant 0 : i32
    %dma_start3A_212 = tpu.memref_slice %arg4[%mul3A_2, %dma_start3A_210, %dma_start3A_211] : memref<4096x200x64xf32, #tpu.memory_space<hbm>> -> memref<128x1x64xf32, #tpu.memory_space<hbm>>
    %dma_start3A_213 = tpu.memref_squeeze %dma_start3A_212 : memref<128x1x64xf32, #tpu.memory_space<hbm>> -> memref<128x64xf32, #tpu.memory_space<hbm>>
    %dma_start3A_214 = arith.constant 0 : i32
    %dma_start3A_215 = tpu.memref_slice %arg4[%mul3A_2, %dma_start3A_210, %dma_start3A_214] : memref<4096x200x64xf32, #tpu.memory_space<hbm>> -> memref<128x1x64xf32, #tpu.memory_space<hbm>>
    %dma_start3A_216 = tpu.memref_squeeze %dma_start3A_215 : memref<128x1x64xf32, #tpu.memory_space<hbm>> -> memref<128x64xf32, #tpu.memory_space<hbm>>
    tpu.enqueue_dma source(%arg15 : memref<128x64xf32, #tpu.memory_space<vmem>>) target(%dma_start3A_216 : memref<128x64xf32, #tpu.memory_space<hbm>>) target_semaphore(%arg35 : memref<!tpu.dma_semaphore, #tpu.memory_space<semaphore_mem>>)
    %dma_wait3A_217 = arith.constant 0 : i32
    %dma_wait3A_218 = arith.constant 0 : i32
    %dma_wait3A_219 = tpu.memref_slice %arg4[%mul3A_2, %dma_wait3A_217, %dma_wait3A_218] : memref<4096x200x64xf32, #tpu.memory_space<hbm>> -> memref<128x1x64xf32, #tpu.memory_space<hbm>>
    %dma_wait3A_220 = tpu.memref_squeeze %dma_wait3A_219 : memref<128x1x64xf32, #tpu.memory_space<hbm>> -> memref<128x64xf32, #tpu.memory_space<hbm>>
    %dma_wait3A_221 = arith.constant 0 : i32
    %dma_wait3A_222 = tpu.memref_slice %arg4[%mul3A_2, %dma_wait3A_217, %dma_wait3A_221] : memref<4096x200x64xf32, #tpu.memory_space<hbm>> -> memref<128x1x64xf32, #tpu.memory_space<hbm>>
    %dma_wait3A_223 = tpu.memref_squeeze %dma_wait3A_222 : memref<128x1x64xf32, #tpu.memory_space<hbm>> -> memref<128x64xf32, #tpu.memory_space<hbm>>
    tpu.wait_dma2 semaphore(%arg26 : memref<!tpu.dma_semaphore, #tpu.memory_space<semaphore_mem>>) src(%arg6 : memref<128x64xf32, #tpu.memory_space<vmem>>) dst(%dma_wait3A_223 : memref<128x64xf32, #tpu.memory_space<hbm>>)
    %dma_wait3A_224 = arith.constant 0 : i32
    %dma_wait3A_225 = arith.constant 0 : i32
    %dma_wait3A_226 = tpu.memref_slice %arg4[%mul3A_2, %dma_wait3A_224, %dma_wait3A_225] : memref<4096x200x64xf32, #tpu.memory_space<hbm>> -> memref<128x1x64xf32, #tpu.memory_space<hbm>>
    %dma_wait3A_227 = tpu.memref_squeeze %dma_wait3A_226 : memref<128x1x64xf32, #tpu.memory_space<hbm>> -> memref<128x64xf32, #tpu.memory_space<hbm>>
    %dma_wait3A_228 = arith.constant 0 : i32
    %dma_wait3A_229 = tpu.memref_slice %arg4[%mul3A_2, %dma_wait3A_224, %dma_wait3A_228] : memref<4096x200x64xf32, #tpu.memory_space<hbm>> -> memref<128x1x64xf32, #tpu.memory_space<hbm>>
    %dma_wait3A_230 = tpu.memref_squeeze %dma_wait3A_229 : memref<128x1x64xf32, #tpu.memory_space<hbm>> -> memref<128x64xf32, #tpu.memory_space<hbm>>
    tpu.wait_dma2 semaphore(%arg27 : memref<!tpu.dma_semaphore, #tpu.memory_space<semaphore_mem>>) src(%arg7 : memref<128x64xf32, #tpu.memory_space<vmem>>) dst(%dma_wait3A_230 : memref<128x64xf32, #tpu.memory_space<hbm>>)
    %dma_wait3A_231 = arith.constant 0 : i32
    %dma_wait3A_232 = arith.constant 0 : i32
    %dma_wait3A_233 = tpu.memref_slice %arg4[%mul3A_2, %dma_wait3A_231, %dma_wait3A_232] : memref<4096x200x64xf32, #tpu.memory_space<hbm>> -> memref<128x1x64xf32, #tpu.memory_space<hbm>>
    %dma_wait3A_234 = tpu.memref_squeeze %dma_wait3A_233 : memref<128x1x64xf32, #tpu.memory_space<hbm>> -> memref<128x64xf32, #tpu.memory_space<hbm>>
    %dma_wait3A_235 = arith.constant 0 : i32
    %dma_wait3A_236 = tpu.memref_slice %arg4[%mul3A_2, %dma_wait3A_231, %dma_wait3A_235] : memref<4096x200x64xf32, #tpu.memory_space<hbm>> -> memref<128x1x64xf32, #tpu.memory_space<hbm>>
    %dma_wait3A_237 = tpu.memref_squeeze %dma_wait3A_236 : memref<128x1x64xf32, #tpu.memory_space<hbm>> -> memref<128x64xf32, #tpu.memory_space<hbm>>
    tpu.wait_dma2 semaphore(%arg28 : memref<!tpu.dma_semaphore, #tpu.memory_space<semaphore_mem>>) src(%arg8 : memref<128x64xf32, #tpu.memory_space<vmem>>) dst(%dma_wait3A_237 : memref<128x64xf32, #tpu.memory_space<hbm>>)
    %dma_wait3A_238 = arith.constant 0 : i32
    %dma_wait3A_239 = arith.constant 0 : i32
    %dma_wait3A_240 = tpu.memref_slice %arg4[%mul3A_2, %dma_wait3A_238, %dma_wait3A_239] : memref<4096x200x64xf32, #tpu.memory_space<hbm>> -> memref<128x1x64xf32, #tpu.memory_space<hbm>>
    %dma_wait3A_241 = tpu.memref_squeeze %dma_wait3A_240 : memref<128x1x64xf32, #tpu.memory_space<hbm>> -> memref<128x64xf32, #tpu.memory_space<hbm>>
    %dma_wait3A_242 = arith.constant 0 : i32
    %dma_wait3A_243 = tpu.memref_slice %arg4[%mul3A_2, %dma_wait3A_238, %dma_wait3A_242] : memref<4096x200x64xf32, #tpu.memory_space<hbm>> -> memref<128x1x64xf32, #tpu.memory_space<hbm>>
    %dma_wait3A_244 = tpu.memref_squeeze %dma_wait3A_243 : memref<128x1x64xf32, #tpu.memory_space<hbm>> -> memref<128x64xf32, #tpu.memory_space<hbm>>
    tpu.wait_dma2 semaphore(%arg29 : memref<!tpu.dma_semaphore, #tpu.memory_space<semaphore_mem>>) src(%arg9 : memref<128x64xf32, #tpu.memory_space<vmem>>) dst(%dma_wait3A_244 : memref<128x64xf32, #tpu.memory_space<hbm>>)
    %dma_wait3A_245 = arith.constant 0 : i32
    %dma_wait3A_246 = arith.constant 0 : i32
    %dma_wait3A_247 = tpu.memref_slice %arg4[%mul3A_2, %dma_wait3A_245, %dma_wait3A_246] : memref<4096x200x64xf32, #tpu.memory_space<hbm>> -> memref<128x1x64xf32, #tpu.memory_space<hbm>>
    %dma_wait3A_248 = tpu.memref_squeeze %dma_wait3A_247 : memref<128x1x64xf32, #tpu.memory_space<hbm>> -> memref<128x64xf32, #tpu.memory_space<hbm>>
    %dma_wait3A_249 = arith.constant 0 : i32
    %dma_wait3A_250 = tpu.memref_slice %arg4[%mul3A_2, %dma_wait3A_245, %dma_wait3A_249] : memref<4096x200x64xf32, #tpu.memory_space<hbm>> -> memref<128x1x64xf32, #tpu.memory_space<hbm>>
    %dma_wait3A_251 = tpu.memref_squeeze %dma_wait3A_250 : memref<128x1x64xf32, #tpu.memory_space<hbm>> -> memref<128x64xf32, #tpu.memory_space<hbm>>
    tpu.wait_dma2 semaphore(%arg30 : memref<!tpu.dma_semaphore, #tpu.memory_space<semaphore_mem>>) src(%arg10 : memref<128x64xf32, #tpu.memory_space<vmem>>) dst(%dma_wait3A_251 : memref<128x64xf32, #tpu.memory_space<hbm>>)
    %dma_wait3A_252 = arith.constant 0 : i32
    %dma_wait3A_253 = arith.constant 0 : i32
    %dma_wait3A_254 = tpu.memref_slice %arg4[%mul3A_2, %dma_wait3A_252, %dma_wait3A_253] : memref<4096x200x64xf32, #tpu.memory_space<hbm>> -> memref<128x1x64xf32, #tpu.memory_space<hbm>>
    %dma_wait3A_255 = tpu.memref_squeeze %dma_wait3A_254 : memref<128x1x64xf32, #tpu.memory_space<hbm>> -> memref<128x64xf32, #tpu.memory_space<hbm>>
    %dma_wait3A_256 = arith.constant 0 : i32
    %dma_wait3A_257 = tpu.memref_slice %arg4[%mul3A_2, %dma_wait3A_252, %dma_wait3A_256] : memref<4096x200x64xf32, #tpu.memory_space<hbm>> -> memref<128x1x64xf32, #tpu.memory_space<hbm>>
    %dma_wait3A_258 = tpu.memref_squeeze %dma_wait3A_257 : memref<128x1x64xf32, #tpu.memory_space<hbm>> -> memref<128x64xf32, #tpu.memory_space<hbm>>
    tpu.wait_dma2 semaphore(%arg31 : memref<!tpu.dma_semaphore, #tpu.memory_space<semaphore_mem>>) src(%arg11 : memref<128x64xf32, #tpu.memory_space<vmem>>) dst(%dma_wait3A_258 : memref<128x64xf32, #tpu.memory_space<hbm>>)
    %dma_wait3A_259 = arith.constant 0 : i32
    %dma_wait3A_260 = arith.constant 0 : i32
    %dma_wait3A_261 = tpu.memref_slice %arg4[%mul3A_2, %dma_wait3A_259, %dma_wait3A_260] : memref<4096x200x64xf32, #tpu.memory_space<hbm>> -> memref<128x1x64xf32, #tpu.memory_space<hbm>>
    %dma_wait3A_262 = tpu.memref_squeeze %dma_wait3A_261 : memref<128x1x64xf32, #tpu.memory_space<hbm>> -> memref<128x64xf32, #tpu.memory_space<hbm>>
    %dma_wait3A_263 = arith.constant 0 : i32
    %dma_wait3A_264 = tpu.memref_slice %arg4[%mul3A_2, %dma_wait3A_259, %dma_wait3A_263] : memref<4096x200x64xf32, #tpu.memory_space<hbm>> -> memref<128x1x64xf32, #tpu.memory_space<hbm>>
    %dma_wait3A_265 = tpu.memref_squeeze %dma_wait3A_264 : memref<128x1x64xf32, #tpu.memory_space<hbm>> -> memref<128x64xf32, #tpu.memory_space<hbm>>
    tpu.wait_dma2 semaphore(%arg32 : memref<!tpu.dma_semaphore, #tpu.memory_space<semaphore_mem>>) src(%arg12 : memref<128x64xf32, #tpu.memory_space<vmem>>) dst(%dma_wait3A_265 : memref<128x64xf32, #tpu.memory_space<hbm>>)
    %dma_wait3A_266 = arith.constant 0 : i32
    %dma_wait3A_267 = arith.constant 0 : i32
    %dma_wait3A_268 = tpu.memref_slice %arg4[%mul3A_2, %dma_wait3A_266, %dma_wait3A_267] : memref<4096x200x64xf32, #tpu.memory_space<hbm>> -> memref<128x1x64xf32, #tpu.memory_space<hbm>>
    %dma_wait3A_269 = tpu.memref_squeeze %dma_wait3A_268 : memref<128x1x64xf32, #tpu.memory_space<hbm>> -> memref<128x64xf32, #tpu.memory_space<hbm>>
    %dma_wait3A_270 = arith.constant 0 : i32
    %dma_wait3A_271 = tpu.memref_slice %arg4[%mul3A_2, %dma_wait3A_266, %dma_wait3A_270] : memref<4096x200x64xf32, #tpu.memory_space<hbm>> -> memref<128x1x64xf32, #tpu.memory_space<hbm>>
    %dma_wait3A_272 = tpu.memref_squeeze %dma_wait3A_271 : memref<128x1x64xf32, #tpu.memory_space<hbm>> -> memref<128x64xf32, #tpu.memory_space<hbm>>
    tpu.wait_dma2 semaphore(%arg33 : memref<!tpu.dma_semaphore, #tpu.memory_space<semaphore_mem>>) src(%arg13 : memref<128x64xf32, #tpu.memory_space<vmem>>) dst(%dma_wait3A_272 : memref<128x64xf32, #tpu.memory_space<hbm>>)
    %dma_wait3A_273 = arith.constant 0 : i32
    %dma_wait3A_274 = arith.constant 0 : i32
    %dma_wait3A_275 = tpu.memref_slice %arg4[%mul3A_2, %dma_wait3A_273, %dma_wait3A_274] : memref<4096x200x64xf32, #tpu.memory_space<hbm>> -> memref<128x1x64xf32, #tpu.memory_space<hbm>>
    %dma_wait3A_276 = tpu.memref_squeeze %dma_wait3A_275 : memref<128x1x64xf32, #tpu.memory_space<hbm>> -> memref<128x64xf32, #tpu.memory_space<hbm>>
    %dma_wait3A_277 = arith.constant 0 : i32
    %dma_wait3A_278 = tpu.memref_slice %arg4[%mul3A_2, %dma_wait3A_273, %dma_wait3A_277] : memref<4096x200x64xf32, #tpu.memory_space<hbm>> -> memref<128x1x64xf32, #tpu.memory_space<hbm>>
    %dma_wait3A_279 = tpu.memref_squeeze %dma_wait3A_278 : memref<128x1x64xf32, #tpu.memory_space<hbm>> -> memref<128x64xf32, #tpu.memory_space<hbm>>
    tpu.wait_dma2 semaphore(%arg34 : memref<!tpu.dma_semaphore, #tpu.memory_space<semaphore_mem>>) src(%arg14 : memref<128x64xf32, #tpu.memory_space<vmem>>) dst(%dma_wait3A_279 : memref<128x64xf32, #tpu.memory_space<hbm>>)
    %dma_wait3A_280 = arith.constant 0 : i32
    %dma_wait3A_281 = arith.constant 0 : i32
    %dma_wait3A_282 = tpu.memref_slice %arg4[%mul3A_2, %dma_wait3A_280, %dma_wait3A_281] : memref<4096x200x64xf32, #tpu.memory_space<hbm>> -> memref<128x1x64xf32, #tpu.memory_space<hbm>>
    %dma_wait3A_283 = tpu.memref_squeeze %dma_wait3A_282 : memref<128x1x64xf32, #tpu.memory_space<hbm>> -> memref<128x64xf32, #tpu.memory_space<hbm>>
    %dma_wait3A_284 = arith.constant 0 : i32
    %dma_wait3A_285 = tpu.memref_slice %arg4[%mul3A_2, %dma_wait3A_280, %dma_wait3A_284] : memref<4096x200x64xf32, #tpu.memory_space<hbm>> -> memref<128x1x64xf32, #tpu.memory_space<hbm>>
    %dma_wait3A_286 = tpu.memref_squeeze %dma_wait3A_285 : memref<128x1x64xf32, #tpu.memory_space<hbm>> -> memref<128x64xf32, #tpu.memory_space<hbm>>
    tpu.wait_dma2 semaphore(%arg35 : memref<!tpu.dma_semaphore, #tpu.memory_space<semaphore_mem>>) src(%arg15 : memref<128x64xf32, #tpu.memory_space<vmem>>) dst(%dma_wait3A_286 : memref<128x64xf32, #tpu.memory_space<hbm>>)
    return
  }
}

</mosaic_0001>

<sc_bundles>
// kernel: kernel.4.cloned.1.call-start
scs
__scs_entry_jumppad:
0x0: {  	(pc) =	sbr.rel $0x88, $3  }
0x1: {  	(tag) =	ssettag $0x0;
	lr =	simm.s32 $0x1  }
0x2: {  	[smem:$0x3F9F] =	sst lr;
	_ =	strace $0xD0000000  }
0x3: {  	_ = 	snop  }
0x4: {  	_ = 	snop  }
0x5: {  	_ = 	snop  }
0x6: {  	_ = 	snop  }
0x7: {  	_ = 	snop  }
__scs_overlays_trampoline_lowered:
0x8: {  	[smem:$0x3FAE] =	sst s0  }
0x9: {  	[smem:$0x3FAF] =	sst s1  }
0xa: {  	[smem:$0x3FB0] =	sst s2  }
0xb: {  	[smem:$0x3FB1] =	sst s3  }
0xc: {  	[smem:$0x3FB2] =	sst s4  }
0xd: {  	[smem:$0x3FB3] =	sst s5  }
0xe: {  	[smem:$0x3FB4] =	sst s6  }
0xf: {  	[smem:$0x3FB5] =	sst s7  }
0x10: {  	[smem:$0x3FB6] =	sst s8  }
0x11: {  	[smem:$0x3FB7] =	sst s9;
	s0 =	simm.s32 @!p0 $0x0  }
0x12: {  	s1 =	sld [smem:$0x3F9D];
	s0 =	simm.s32 @p0 $0x1  }
0x13: {  	[smem:$0x3FB8] =	sst s0;
	s0 =	simm.s32 @!p1 $0x0  }
0x14: {  	s2 =	sld [smem:$0x3F9C];
	s0 =	simm.s32 @p1 $0x1  }
0x15: {  	[smem:$0x3FB9] =	sst s0;
	s0 =	simm.s32 @!p2 $0x0  }
0x16: {  	s3 =	sld [smem:$0x3FDB];
	s0 =	simm.s32 @p2 $0x1  }
0x17: {  	s4 =	simm.s32 $0x1BF5;
	[smem:$0x3FBB] =	sst s0  }
0x18: {  	s0 =	sld [smem:$0x3F9E];
	_ =	swait.ge [sflag:s4], $0x0  }
0x19: {  	s7 =	sld [smem:$0x3F9F]  }
0x1a: {  	s8 =	sadd.s32 $0xFFFFE003, lr  }
0x1b: {  	s9 =	sadd.s32 $0xFFFFFEF7, lr;
	s5 =	simm.s32 $0xFFFFFFFF;
	p2 =	slt.u32 s8, $0xFFFFF086  }
0x1c: {  	p1 =	slt.u32 s9, $0xF7A;
	s5 =	simm.s32 @!p2 $0x0  }
0x1d: {  	s5 =	simm.s32 @p1 $0x1;
	p0 =	seq.s32 s7, s2  }
0x1e: {  	s7 =	smul.u32 @!p0 $0xF7A, s2;
	p2 =	seq.s32 @!p0 s5, $0x0  }
0x1f: {  	s9 =	smul.u32 $0xF7A, s1;
	s8 =	simm.s32 @!p0 $0x1BF5;
	p2 =	por !p2, p0  }
0x20: {  	[sflag:s8] =	ssyncset.s32 @!p0 $0xFFFFF086;
	s6 =	sadd.s32 @!p0 s3, s7;
	s7 =	simm.s32 @!p0 $0x108  }
0x21: {  	s3 =	sadd.s32 s3, s9;
	s6 =	sadd.s32 @!p0 $0x88, s6;
	s7 =	simm.s32 @p2 $0x1082  }
0x22: {  	[simem:s7], [sflag:s8] =	dma.local @!p0 [hbm:s6], $0xF7A  }
0x23: {  	s9 =	sor.u32 $0xD0000000, s2;
	s6 =	simm.s32 $0x108;
	_ =	swait.ge @!p0 [sflag:s8], $0x0  }
0x24: {  	s3 =	sadd.s32 $0x88, s3;
	s6 =	simm.s32 @!p1 $0x1082;
	[sflag:s4] =	ssyncset.s32 $0xFFFFF086  }
0x25: {  	[simem:s6], [sflag:s4] =	dma.local [hbm:s3], $0xF7A  }
0x26: {  	[smem:$0x3F9F] =	sst s1;
	(tag) =	ssettag s2;
	_ =	strace s9  }
0x27: {  	s1 =	sld [smem:$0x3FAF]  }
0x28: {  	s2 =	sld [smem:$0x3FB0]  }
0x29: {  	s4 =	sld [smem:$0x3FB2]  }
0x2a: {  	p0 =	seq.s32 s5, $0x0;
	s5 =	sld [smem:$0x3FB3]  }
0x2b: {  	s6 =	sld [smem:$0x3FB4]  }
0x2c: {  	s7 =	sld [smem:$0x3FB5]  }
0x2d: {  	s3 =	simm.s32 $0x108;
	s8 =	sld [smem:$0x3FB6]  }
0x2e: {  	s3 =	simm.s32 @!p0 $0x1082;
	s9 =	sld [smem:$0x3FB7]  }
0x2f: {  	lr =	sadd.s32 s0, s3;
	s0 =	sld [smem:$0x3FAE]  }
0x30: {  	s3 =	sld [smem:$0x3FB1]  }
0x31: {  	[smem:$0x3FBA] =	sst s10  }
0x32: {  	s10 =	sld [smem:$0x3FB8];
	_ =	sdelay $0x3  }
0x33: {  	p0 =	seq.s32 s10, $0x1;
	s10 =	sld [smem:$0x3FBA];
	_ =	sdelay $0x3  }
0x34: {  	[smem:$0x3FBA] =	sst s10  }
0x35: {  	s10 =	sld [smem:$0x3FB9];
	_ =	sdelay $0x3  }
0x36: {  	p1 =	seq.s32 s10, $0x1;
	s10 =	sld [smem:$0x3FBA];
	_ =	sdelay $0x3  }
0x37: {  	[smem:$0x3FBA] =	sst s10  }
0x38: {  	s10 =	sld [smem:$0x3FBB]  }
0x39: {  	_ = 	snop;
	(pc) =	sbr.ind lr, $3  }
0x3a: {  	_ = 	snop  }
0x3b: {  	_ = 	snop  }
0x3c: {  	p2 =	seq.s32 s10, $0x1;
	s10 =	sld [smem:$0x3FBA]  }
0x3d: {  	_ =	shalt  }
0x3e: {  	_ =	shalt  }
0x3f: {  	_ =	shalt  }
0x40: {  	_ =	shalt  }
0x41: {  	_ =	shalt  }
0x42: {  	_ =	shalt  }
0x43: {  	_ =	shalt  }
0x44: {  	_ =	shalt  }
0x45: {  	_ =	shalt  }
0x46: {  	_ =	shalt  }
0x47: {  	_ =	shalt  }
0x48: {  	_ =	shalt  }
0x49: {  	_ =	shalt  }
0x4a: {  	_ =	shalt  }
0x4b: {  	_ =	shalt  }
0x4c: {  	_ =	shalt  }
0x4d: {  	_ =	shalt  }
0x4e: {  	_ =	shalt  }
0x4f: {  	_ =	shalt  }
0x50: {  	_ =	shalt  }
0x51: {  	_ =	shalt  }
0x52: {  	_ =	shalt  }
0x53: {  	_ =	shalt  }
0x54: {  	_ =	shalt  }
0x55: {  	_ =	shalt  }
0x56: {  	_ =	shalt  }
0x57: {  	_ =	shalt  }
0x58: {  	_ =	shalt  }
0x59: {  	_ =	shalt  }
0x5a: {  	_ =	shalt  }
0x5b: {  	_ =	shalt  }
0x5c: {  	_ =	shalt  }
0x5d: {  	_ =	shalt  }
0x5e: {  	_ =	shalt  }
0x5f: {  	_ =	shalt  }
0x60: {  	_ =	shalt  }
0x61: {  	_ =	shalt  }
0x62: {  	_ =	shalt  }
0x63: {  	_ =	shalt  }
0x64: {  	_ =	shalt  }
0x65: {  	_ =	shalt  }
0x66: {  	_ =	shalt  }
0x67: {  	_ =	shalt  }
0x68: {  	_ =	shalt  }
0x69: {  	_ =	shalt  }
0x6a: {  	_ =	shalt  }
0x6b: {  	_ =	shalt  }
0x6c: {  	_ =	shalt  }
0x6d: {  	_ =	shalt  }
0x6e: {  	_ =	shalt  }
0x6f: {  	_ =	shalt  }
0x70: {  	_ =	shalt  }
0x71: {  	_ =	shalt  }
0x72: {  	_ =	shalt  }
0x73: {  	_ =	shalt  }
0x74: {  	_ =	shalt  }
0x75: {  	_ =	shalt  }
0x76: {  	_ =	shalt  }
0x77: {  	_ =	shalt  }
0x78: {  	_ =	shalt  }
0x79: {  	_ =	shalt  }
0x7a: {  	_ =	shalt  }
0x7b: {  	_ =	shalt  }
0x7c: {  	_ =	shalt  }
0x7d: {  	_ =	shalt  }
0x7e: {  	_ =	shalt  }
0x7f: {  	_ =	shalt  }
0x80: {  	_ =	shalt  }
0x81: {  	_ =	shalt  }
0x82: {  	_ =	shalt  }
0x83: {  	_ =	shalt  }
0x84: {  	_ =	shalt  }
0x85: {  	_ =	shalt  }
0x86: {  	_ =	shalt  }
0x87: {  	_ =	shalt  }
.Lfunc_end0:
.L_simem_size_0:
called_computation.1_lowered:
.L_overlay_start_0:
0x88: {  	s2 =	sld [smem:$0x3FD9]  }
0x89: {  	s3 =	sld [smem:$0x3FFE];
	_ =	sdelay $0x1  }
0x8a: {  	s1 =	srdreg.scid  }
0x8b: {  	s0 =	sand.u32 $0x1, s1  }
0x8c: {  	s17 =	sshll.u32 s0, $0xA;
	s2 =	sadd.s32 s3, s2  }
0x8d: {  	s2 =	sadd.s32 s2, s17  }
0x8e: {  	[smem:$0x3FC6] =	sst s2  }
0x8f: {  	_ = 	snop  }
0x90: {  	s2 =	sld [smem:$0x3FC9];
	(tm) =	ssettm $0x1  }
0x91: {  	s18 =	sld [smem:$0x3FFB];
	_ =	sdelay $0x3  }
0x92: {  	_ =	strace s18  }
0x93: {  	s3 =	sld [smem:$0x3FFC];
	_ =	sdelay $0x3  }
0x94: {  	_ =	strace s3  }
0x95: {  	s3 =	sld [smem:$0x3FFD];
	_ =	sdelay $0x3  }
0x96: {  	_ =	strace s3  }
0x97: {  	_ =	strace $0x8FFFFFFF  }
0x98: {  	s19 =	sld [smem:$0x3FDB];
	_ =	sdelay $0x1  }
0x99: {  	s4 =	simm.s32 $_scs_section_size  }
0x9a: {  	s5 =	simm.s32 $_size__tile_overlayer_lowered;
	s6 =	simm.s32 $_tile_overlayer_lowered  }
0x9b: {  	s22 =	simm.s32 $0x1BFF;
	s21 =	sshll.u32 s6, $0x1;
	s3 =	sadd.s32 s4, s19  }
0x9c: {  	s7 =	simm.s32 $0x0;
	s20 =	sshll.u32 s5, $0x1;
	s5 =	sadd.s32 s21, s3  }
0x9d: {  	[timem:s7], [sflag:s22] =	dma.local [hbm:s5], s20  }
0x9e: {  	_ =	swait.ge [sflag:s22], s20  }
0x9f: {  	s4 =	ssub.s32 $0x0, s20;
	[sflag:s22] =	ssyncset.done $0x0  }
0xa0: {  	[sflag:s22] =	ssyncadd.s32 s4;
	_ =	sdelay $0x1  }
0xa1: {  	s23 =	simm.s32 $0x1B8B  }
0xa2: {  	_ =	swait.ge [sflag:s23], $0x1  }
0xa3: {  	[sflag:s23] =	ssyncset.done $0x0  }
0xa4: {  	s25 =	simm.s32 $0x1B8E;
	s24 =	sld [smem:$0x3FFE];
	[sflag:s23] =	ssyncadd.s32 $0xFFFFFFFF  }
0xa5: {  	s26 =	simm.s32 $execute0_lowered;
	[smem:$0x3FD2] =	sst s25  }
0xa6: {  	s5 =	sshll.u32 s26, $0x1;
	_ =	strace $0x80000046;
	[dreg:$0x1] =	wrdreg $0xFFFFFFFF  }
0xa7: {  	s28 =	simm.s32 $_size_execute0_lowered;
	s3 =	sadd.s32 s3, s5;
	[dreg:$0x0] =	wrdreg $0x0  }
0xa8: {  	s5 =	sshll.u32 s28, $0x1;
	[dreg:$0x2] =	wrdreg s3  }
0xa9: {  	[dreg:$0x3] =	wrdreg s5  }
0xaa: {  	[dreg:$0x4] =	wrdreg $0xC0  }
0xab: {  	_ =	task [dreg:s7], $0x5FFFF  }
0xac: {  	[dreg:$0x1] =	wrdreg $0xFFFFFFFF  }
0xad: {  	[dreg:$0x0] =	wrdreg $0x60  }
0xae: {  	[dreg:$0x2] =	wrdreg s2  }
0xaf: {  	[dreg:$0x3] =	wrdreg s24  }
0xb0: {  	[dreg:$0x4] =	wrdreg $0x9  }
0xb1: {  	_ =	task.clear_ibuf [dreg:s7], $0x5FFFF;
	_ =	strace $0x90000046  }
0xb2: {  	s29 =	simm.s32 $0x9;
	_ =	strace $0x80000048  }
0xb3: {  	_ =	swait.ge [sflag:s29], $0x1  }
0xb4: {  	[sflag:s29] =	ssyncadd.s32 $0xFFFFFFFF  }
0xb5: {  	_ =	strace $0x90000048  }
0xb6: {  	_ =	sfence  }
0xb7: {  	s30 =	sld [smem:$0x0];
	_ =	sdelay $0x2  }
0xb8: {  	s31 =	sshll.u32 s1, $0xD;
	s1 =	sshrl.u32 s1, $0x2  }
0xb9: {  	s3 =	sand.u32 $0x4000, s31;
	s1 =	sadd.s32 s1, s30  }
0xba: {  	s0 =	sor.u32 s3, s0;
	s1 =	sshll.u32 s1, $0x11  }
0xbb: {  	s0 =	sor.u32 s1, s0  }
0xbc: {  	s0 =	sadd.s32 $0x8F2B, s0  }
0xbd: {  	[sflag:s0] =	ssyncadd.remote.s32 $0x1  }
0xbe: {  	_ =	sfence.sel $0xFFFF  }
0xbf: {  	[dreg:$0x0] =	wrdreg $0xFFFFFFFF;
	(pc) =	sbr.abs _section_cstart, $3  }
0xc0: {  	[dreg:$0x1] =	wrdreg $0xFFFFFFFF  }
0xc1: {  	_ =	task.clear_ibuf [dreg:s7], $0x2FFFF;
	_ =	strace $0x9FFFFFFF  }
0xc2: {  	(tm) =	ssettm $0x7FFFFFFF  }
0xc3: {  	_ =	shalt  }
tec
execute0_lowered:
.L_overlay_start_1:
0x0: {  	(tag) =	ssettag $0x1  }
0x1: {  	s3 =	rddreg [dreg:$0x0]  }
0x2: {  	s7 =	rddreg [dreg:$0x1]  }
0x3: {  	s0 =	rddreg [dreg:$0x2]  }
0x4: {  	s4 =	srdreg.scid;
	s1 =	stileid.u32  }
0x5: {  	s2 =	simm.s32 $0x0;
	s4 =	sand.u32 $0x1, s4;
	s5 =	sshll.u32 s1, $0x1  }
0x6: {  	[smem:$0x7FF] =	sst s2;
	s5 =	sor.u32 s4, s5  }
0x7: {  	_ =	strace $0x80000047;
	s9 =	ssub.s32 $0x2, s4;
	s4 =	simm.s32 $0x400  }
0x8: {  	s6 =	sshll.u32 s5, $0x7;
	s8 =	smul.u32 $0xC80, s5;
	s10 =	sshrl.u32 s9, $0x1  }
0x9: {  	s3 =	sadd.s32 s3, s6;
	s6 =	simm.s32 $0x8000;
	s31 =	ssub.s32 s9, s10  }
0xa: {  	[tilespmem:s2], [sflag:$0x1] =	stream.strided.gather [hbm4b:s3+s4], $0x6400, s6, s4, $0x38;
	[tilespmem:$0x6400] =	vst v63  }
0xb: {  	s5 =	simm.s32 $0x1;
	s7 =	sadd.s32 s8, s7;
	s8 =	smax.u32 s31, $0x1  }
0xc: {  	_ =	swait.ge [sflag:s5], $0x6400;
	p0 =	sne.s32 s8, $0x1  }
.Ltmp0:
0xd: {  	[sflag:s5] =	ssyncset.done $0x0;
	(pc) =	sbr.rel @!p0 .LBB2_2-.Ltmp0, $4  }
0xe: {  	s7 =	sadd.s32 $0xC00, s7;
	[sflag:s5] =	ssyncadd.s32 $0xFFFF9C00  }
0xf: {  	[hbm4b:s7+s2] =	stream.linear.scatter [tilespmem:s2], [sflag:$0x1], $0x6400, $0x38;
	[tilespmem:$0x6400] =	vst v63  }
0x10: {  	_ =	swait.ge [sflag:s5], $0x6400  }
0x11: {  	s8 =	sadd.s32 $0xFFFFFFFF, s8;
	[sflag:s5] =	ssyncset.done $0x0  }
.LBB2_1:
0x12: {  	p0 =	sne.s32 s8, $0x1;
	s8 =	sadd.s32 $0xFFFFFFFF, s8;
	[sflag:s5] =	ssyncadd.s32 $0xFFFF9C00  }
0x13: {  	[tilespmem:s2], [sflag:$0x1] =	stream.strided.gather [hbm4b:s3+s4], $0x6400, s6, s4, $0x38;
	[tilespmem:$0x6400] =	vst v63  }
0x14: {  	_ =	swait.ge [sflag:s5], $0x6400  }
.Ltmp1:
0x15: {  	[sflag:s5] =	ssyncset.done $0x0;
	(pc) =	sbr.rel @p0 .LBB2_1-.Ltmp1, $4  }
0x16: {  	[sflag:s5] =	ssyncadd.s32 $0xFFFF9C00  }
0x17: {  	[hbm4b:s7+s2] =	stream.linear.scatter [tilespmem:s2], [sflag:$0x1], $0x6400, $0x38;
	[tilespmem:$0x6400] =	vst v63  }
0x18: {  	_ =	swait.ge [sflag:s5], $0x6400  }
0x19: {  	[sflag:s5] =	ssyncset.done $0x0  }
.LBB2_2:
0x1a: {  	[sflag:s5] =	ssyncadd.s32 $0xFFFF9C00  }
0x1b: {  	_ =	sfence.sel $0x180000  }
0x1c: {  	[bflag:$0x0] =	sbarrier.arrive $0xFFFF  }
0x1d: {  	p0 =	sne.s32 s1, $0x0;
	_ =	strace $0x90000047  }
0x1e: {  	s0 =	sadd.s32 @!p0 $0x100000, s0;
	[bflag:$0x2] =	sbarrier.arrive $0xFFFF  }
0x1f: {  	[sflag:s0] =	ssyncadd.tile.s32 @!p0 $0x1;
	_ =	shalt  }
.Lfunc_end2:
_tile_overlayer_lowered:
.L_overlay_start_2:
0x20: {  	(tag) =	ssettag $0x2  }
0x21: {  	s0 =	rddreg [dreg:$0x0];
	s2 =	stileid.u32  }
0x22: {  	s1 =	rddreg [dreg:$0x1];
	p0 =	sne.s32 s2, $0x0  }
0x23: {  	s3 =	rddreg [dreg:$0x2];
	[bflag:$0x3] =	sbarrier.arrive $0xFFFF;
	s2 =	simm.s32 @!p0 $0x1C01  }
0x24: {  	[timem:s3], [sflag:s2] =	dma.local @!p0 [hbm:s0], s1  }
0x25: {  	s0 =	simm.s32 @!p0 $0x1  }
0x26: {  	_ =	swait.ge @!p0 [sflag:s0], s1  }
0x27: {  	s1 =	ssub.s32 @!p0 $0x0, s1;
	[sflag:s0] =	ssyncset.done @!p0 $0x0  }
0x28: {  	[sflag:s0] =	ssyncadd.s32 @!p0 s1  }
0x29: {  	[bflag:$0x3] =	sbarrier.arrive $0xFFFF  }
0x2a: {  	_ =	shalt  }

// kernel: kernel.7.cloned.1.call-start
scs
__scs_entry_jumppad:
0x0: {  	(pc) =	sbr.rel $0x88, $3  }
0x1: {  	(tag) =	ssettag $0x0;
	lr =	simm.s32 $0x1  }
0x2: {  	[smem:$0x3F9F] =	sst lr;
	_ =	strace $0xD0000000  }
0x3: {  	_ = 	snop  }
0x4: {  	_ = 	snop  }
0x5: {  	_ = 	snop  }
0x6: {  	_ = 	snop  }
0x7: {  	_ = 	snop  }
__scs_overlays_trampoline_lowered:
0x8: {  	[smem:$0x3FAE] =	sst s0  }
0x9: {  	[smem:$0x3FAF] =	sst s1  }
0xa: {  	[smem:$0x3FB0] =	sst s2  }
0xb: {  	[smem:$0x3FB1] =	sst s3  }
0xc: {  	[smem:$0x3FB2] =	sst s4  }
0xd: {  	[smem:$0x3FB3] =	sst s5  }
0xe: {  	[smem:$0x3FB4] =	sst s6  }
0xf: {  	[smem:$0x3FB5] =	sst s7  }
0x10: {  	[smem:$0x3FB6] =	sst s8  }
0x11: {  	[smem:$0x3FB7] =	sst s9;
	s0 =	simm.s32 @!p0 $0x0  }
0x12: {  	s1 =	sld [smem:$0x3F9D];
	s0 =	simm.s32 @p0 $0x1  }
0x13: {  	[smem:$0x3FB8] =	sst s0;
	s0 =	simm.s32 @!p1 $0x0  }
0x14: {  	s2 =	sld [smem:$0x3F9C];
	s0 =	simm.s32 @p1 $0x1  }
0x15: {  	[smem:$0x3FB9] =	sst s0;
	s0 =	simm.s32 @!p2 $0x0  }
0x16: {  	s3 =	sld [smem:$0x3FDB];
	s0 =	simm.s32 @p2 $0x1  }
0x17: {  	s4 =	simm.s32 $0x1BF5;
	[smem:$0x3FBB] =	sst s0  }
0x18: {  	s0 =	sld [smem:$0x3F9E];
	_ =	swait.ge [sflag:s4], $0x0  }
0x19: {  	s7 =	sld [smem:$0x3F9F]  }
0x1a: {  	s8 =	sadd.s32 $0xFFFFE003, lr  }
0x1b: {  	s9 =	sadd.s32 $0xFFFFFEF7, lr;
	s5 =	simm.s32 $0xFFFFFFFF;
	p2 =	slt.u32 s8, $0xFFFFF086  }
0x1c: {  	p1 =	slt.u32 s9, $0xF7A;
	s5 =	simm.s32 @!p2 $0x0  }
0x1d: {  	s5 =	simm.s32 @p1 $0x1;
	p0 =	seq.s32 s7, s2  }
0x1e: {  	s7 =	smul.u32 @!p0 $0xF7A, s2;
	p2 =	seq.s32 @!p0 s5, $0x0  }
0x1f: {  	s9 =	smul.u32 $0xF7A, s1;
	s8 =	simm.s32 @!p0 $0x1BF5;
	p2 =	por !p2, p0  }
0x20: {  	[sflag:s8] =	ssyncset.s32 @!p0 $0xFFFFF086;
	s6 =	sadd.s32 @!p0 s3, s7;
	s7 =	simm.s32 @!p0 $0x108  }
0x21: {  	s3 =	sadd.s32 s3, s9;
	s6 =	sadd.s32 @!p0 $0x88, s6;
	s7 =	simm.s32 @p2 $0x1082  }
0x22: {  	[simem:s7], [sflag:s8] =	dma.local @!p0 [hbm:s6], $0xF7A  }
0x23: {  	s9 =	sor.u32 $0xD0000000, s2;
	s6 =	simm.s32 $0x108;
	_ =	swait.ge @!p0 [sflag:s8], $0x0  }
0x24: {  	s3 =	sadd.s32 $0x88, s3;
	s6 =	simm.s32 @!p1 $0x1082;
	[sflag:s4] =	ssyncset.s32 $0xFFFFF086  }
0x25: {  	[simem:s6], [sflag:s4] =	dma.local [hbm:s3], $0xF7A  }
0x26: {  	[smem:$0x3F9F] =	sst s1;
	(tag) =	ssettag s2;
	_ =	strace s9  }
0x27: {  	s1 =	sld [smem:$0x3FAF]  }
0x28: {  	s2 =	sld [smem:$0x3FB0]  }
0x29: {  	s4 =	sld [smem:$0x3FB2]  }
0x2a: {  	p0 =	seq.s32 s5, $0x0;
	s5 =	sld [smem:$0x3FB3]  }
0x2b: {  	s6 =	sld [smem:$0x3FB4]  }
0x2c: {  	s7 =	sld [smem:$0x3FB5]  }
0x2d: {  	s3 =	simm.s32 $0x108;
	s8 =	sld [smem:$0x3FB6]  }
0x2e: {  	s3 =	simm.s32 @!p0 $0x1082;
	s9 =	sld [smem:$0x3FB7]  }
0x2f: {  	lr =	sadd.s32 s0, s3;
	s0 =	sld [smem:$0x3FAE]  }
0x30: {  	s3 =	sld [smem:$0x3FB1]  }
0x31: {  	[smem:$0x3FBA] =	sst s10  }
0x32: {  	s10 =	sld [smem:$0x3FB8];
	_ =	sdelay $0x3  }
0x33: {  	p0 =	seq.s32 s10, $0x1;
	s10 =	sld [smem:$0x3FBA];
	_ =	sdelay $0x3  }
0x34: {  	[smem:$0x3FBA] =	sst s10  }
0x35: {  	s10 =	sld [smem:$0x3FB9];
	_ =	sdelay $0x3  }
0x36: {  	p1 =	seq.s32 s10, $0x1;
	s10 =	sld [smem:$0x3FBA];
	_ =	sdelay $0x3  }
0x37: {  	[smem:$0x3FBA] =	sst s10  }
0x38: {  	s10 =	sld [smem:$0x3FBB]  }
0x39: {  	_ = 	snop;
	(pc) =	sbr.ind lr, $3  }
0x3a: {  	_ = 	snop  }
0x3b: {  	_ = 	snop  }
0x3c: {  	p2 =	seq.s32 s10, $0x1;
	s10 =	sld [smem:$0x3FBA]  }
0x3d: {  	_ =	shalt  }
0x3e: {  	_ =	shalt  }
0x3f: {  	_ =	shalt  }
0x40: {  	_ =	shalt  }
0x41: {  	_ =	shalt  }
0x42: {  	_ =	shalt  }
0x43: {  	_ =	shalt  }
0x44: {  	_ =	shalt  }
0x45: {  	_ =	shalt  }
0x46: {  	_ =	shalt  }
0x47: {  	_ =	shalt  }
0x48: {  	_ =	shalt  }
0x49: {  	_ =	shalt  }
0x4a: {  	_ =	shalt  }
0x4b: {  	_ =	shalt  }
0x4c: {  	_ =	shalt  }
0x4d: {  	_ =	shalt  }
0x4e: {  	_ =	shalt  }
0x4f: {  	_ =	shalt  }
0x50: {  	_ =	shalt  }
0x51: {  	_ =	shalt  }
0x52: {  	_ =	shalt  }
0x53: {  	_ =	shalt  }
0x54: {  	_ =	shalt  }
0x55: {  	_ =	shalt  }
0x56: {  	_ =	shalt  }
0x57: {  	_ =	shalt  }
0x58: {  	_ =	shalt  }
0x59: {  	_ =	shalt  }
0x5a: {  	_ =	shalt  }
0x5b: {  	_ =	shalt  }
0x5c: {  	_ =	shalt  }
0x5d: {  	_ =	shalt  }
0x5e: {  	_ =	shalt  }
0x5f: {  	_ =	shalt  }
0x60: {  	_ =	shalt  }
0x61: {  	_ =	shalt  }
0x62: {  	_ =	shalt  }
0x63: {  	_ =	shalt  }
0x64: {  	_ =	shalt  }
0x65: {  	_ =	shalt  }
0x66: {  	_ =	shalt  }
0x67: {  	_ =	shalt  }
0x68: {  	_ =	shalt  }
0x69: {  	_ =	shalt  }
0x6a: {  	_ =	shalt  }
0x6b: {  	_ =	shalt  }
0x6c: {  	_ =	shalt  }
0x6d: {  	_ =	shalt  }
0x6e: {  	_ =	shalt  }
0x6f: {  	_ =	shalt  }
0x70: {  	_ =	shalt  }
0x71: {  	_ =	shalt  }
0x72: {  	_ =	shalt  }
0x73: {  	_ =	shalt  }
0x74: {  	_ =	shalt  }
0x75: {  	_ =	shalt  }
0x76: {  	_ =	shalt  }
0x77: {  	_ =	shalt  }
0x78: {  	_ =	shalt  }
0x79: {  	_ =	shalt  }
0x7a: {  	_ =	shalt  }
0x7b: {  	_ =	shalt  }
0x7c: {  	_ =	shalt  }
0x7d: {  	_ =	shalt  }
0x7e: {  	_ =	shalt  }
0x7f: {  	_ =	shalt  }
0x80: {  	_ =	shalt  }
0x81: {  	_ =	shalt  }
0x82: {  	_ =	shalt  }
0x83: {  	_ =	shalt  }
0x84: {  	_ =	shalt  }
0x85: {  	_ =	shalt  }
0x86: {  	_ =	shalt  }
0x87: {  	_ =	shalt  }
.Lfunc_end0:
.L_simem_size_0:
called_computation.2_lowered:
.L_overlay_start_0:
0x88: {  	s2 =	sld [smem:$0x3FD9]  }
0x89: {  	s3 =	sld [smem:$0x3FFE];
	_ =	sdelay $0x1  }
0x8a: {  	s1 =	srdreg.scid  }
0x8b: {  	s0 =	sand.u32 $0x1, s1  }
0x8c: {  	s17 =	sshll.u32 s0, $0xA;
	s2 =	sadd.s32 s3, s2  }
0x8d: {  	s2 =	sadd.s32 s2, s17  }
0x8e: {  	[smem:$0x3FC6] =	sst s2  }
0x8f: {  	_ = 	snop  }
0x90: {  	s2 =	sld [smem:$0x3FD0];
	(tm) =	ssettm $0x1  }
0x91: {  	s18 =	sld [smem:$0x3FFB];
	_ =	sdelay $0x3  }
0x92: {  	_ =	strace s18  }
0x93: {  	s3 =	sld [smem:$0x3FFC];
	_ =	sdelay $0x3  }
0x94: {  	_ =	strace s3  }
0x95: {  	s3 =	sld [smem:$0x3FFD];
	_ =	sdelay $0x3  }
0x96: {  	_ =	strace s3  }
0x97: {  	_ =	strace $0x8FFFFFFF  }
0x98: {  	s19 =	sld [smem:$0x3FDB];
	_ =	sdelay $0x1  }
0x99: {  	s4 =	simm.s32 $_scs_section_size  }
0x9a: {  	s5 =	simm.s32 $_size__tile_overlayer_lowered;
	s6 =	simm.s32 $_tile_overlayer_lowered  }
0x9b: {  	s22 =	simm.s32 $0x1BFF;
	s21 =	sshll.u32 s6, $0x1;
	s3 =	sadd.s32 s4, s19  }
0x9c: {  	s7 =	simm.s32 $0x0;
	s20 =	sshll.u32 s5, $0x1;
	s5 =	sadd.s32 s21, s3  }
0x9d: {  	[timem:s7], [sflag:s22] =	dma.local [hbm:s5], s20  }
0x9e: {  	_ =	swait.ge [sflag:s22], s20  }
0x9f: {  	s4 =	ssub.s32 $0x0, s20;
	[sflag:s22] =	ssyncset.done $0x0  }
0xa0: {  	[sflag:s22] =	ssyncadd.s32 s4;
	_ =	sdelay $0x1  }
0xa1: {  	s23 =	simm.s32 $0x1B8B  }
0xa2: {  	_ =	swait.ge [sflag:s23], $0x1  }
0xa3: {  	[sflag:s23] =	ssyncset.done $0x0  }
0xa4: {  	s25 =	simm.s32 $0x1B8E;
	s24 =	sld [smem:$0x3FFE];
	[sflag:s23] =	ssyncadd.s32 $0xFFFFFFFF  }
0xa5: {  	s26 =	simm.s32 $execute0_lowered;
	[smem:$0x3FD2] =	sst s25  }
0xa6: {  	s5 =	sshll.u32 s26, $0x1;
	_ =	strace $0x80000049;
	[dreg:$0x1] =	wrdreg $0xFFFFFFFF  }
0xa7: {  	s28 =	simm.s32 $_size_execute0_lowered;
	s3 =	sadd.s32 s3, s5;
	[dreg:$0x0] =	wrdreg $0x0  }
0xa8: {  	s5 =	sshll.u32 s28, $0x1;
	[dreg:$0x2] =	wrdreg s3  }
0xa9: {  	[dreg:$0x3] =	wrdreg s5  }
0xaa: {  	[dreg:$0x4] =	wrdreg $0xC0  }
0xab: {  	_ =	task [dreg:s7], $0x5FFFF  }
0xac: {  	[dreg:$0x1] =	wrdreg $0xFFFFFFFF  }
0xad: {  	[dreg:$0x0] =	wrdreg $0x60  }
0xae: {  	[dreg:$0x2] =	wrdreg s24  }
0xaf: {  	[dreg:$0x3] =	wrdreg s2  }
0xb0: {  	[dreg:$0x4] =	wrdreg $0x9  }
0xb1: {  	_ =	task.clear_ibuf [dreg:s7], $0x5FFFF;
	_ =	strace $0x90000049  }
0xb2: {  	s29 =	simm.s32 $0x9;
	_ =	strace $0x8000004B  }
0xb3: {  	_ =	swait.ge [sflag:s29], $0x1  }
0xb4: {  	[sflag:s29] =	ssyncadd.s32 $0xFFFFFFFF  }
0xb5: {  	_ =	strace $0x9000004B  }
0xb6: {  	_ =	sfence  }
0xb7: {  	s30 =	sld [smem:$0x0];
	_ =	sdelay $0x2  }
0xb8: {  	s31 =	sshll.u32 s1, $0xD;
	s1 =	sshrl.u32 s1, $0x2  }
0xb9: {  	s3 =	sand.u32 $0x4000, s31;
	s1 =	sadd.s32 s1, s30  }
0xba: {  	s0 =	sor.u32 s3, s0;
	s1 =	sshll.u32 s1, $0x11  }
0xbb: {  	s0 =	sor.u32 s1, s0  }
0xbc: {  	s0 =	sadd.s32 $0x8F2B, s0  }
0xbd: {  	[sflag:s0] =	ssyncadd.remote.s32 $0x1  }
0xbe: {  	_ =	sfence.sel $0xFFFF  }
0xbf: {  	[dreg:$0x0] =	wrdreg $0xFFFFFFFF;
	(pc) =	sbr.abs _section_cstart, $3  }
0xc0: {  	[dreg:$0x1] =	wrdreg $0xFFFFFFFF  }
0xc1: {  	_ =	task.clear_ibuf [dreg:s7], $0x2FFFF;
	_ =	strace $0x9FFFFFFF  }
0xc2: {  	(tm) =	ssettm $0x7FFFFFFF  }
0xc3: {  	_ =	shalt  }
tec
execute0_lowered:
.L_overlay_start_1:
0x0: {  	(tag) =	ssettag $0x1  }
0x1: {  	s0 =	srdreg.scid  }
0x2: {  	s6 =	stileid.u32;
	s1 =	rddreg [dreg:$0x0]  }
0x3: {  	s5 =	simm.s32 $0x0;
	s30 =	simm.s32 $0x40;
	s31 =	simm.s32 $0x3200  }
0x4: {  	s2 =	sand.u32 $0x1, s0;
	s3 =	sshll.u32 s6, $0x1;
	s6 =	smul.u32 $0x320000, s6  }
0x5: {  	s3 =	sor.u32 s2, s3;
	s23 =	ssub.s32 $0x2, s2;
	s2 =	smul.u32 $0x190000, s2  }
0x6: {  	s29 =	simm.s32 $0xC400;
	[smem:$0x7FF] =	sst s5;
	s4 =	smul.u32 $0xC80, s3  }
0x7: {  	s0 =	rddreg [dreg:$0x1];
	_ =	strace $0x8000004A;
	s22 =	smul.u32 $0x190000, s3  }
0x8: {  	s3 =	sadd.s32 $0xF5C000, s1;
	s7 =	sshrl.u32 s23, $0x1;
	s2 =	sadd.s32 s2, s6  }
0x9: {  	s4 =	sadd.s32 s4, s1;
	s5 =	sshrl.u32 s22, $0x3;
	s1 =	ssub.s32 s23, s7  }
0xa: {  	s6 =	sor.u32 $0x240, s2;
	s10 =	sor.u32 $0x200, s2;
	s12 =	sor.u32 $0x1C0, s2  }
0xb: {  	s16 =	sor.u32 $0x140, s2;
	s18 =	sor.u32 $0x280, s2;
	s19 =	sor.u32 $0x2C0, s2  }
0xc: {  	s23 =	sor.u32 $0x380, s2;
	s8 =	sadd.s32 s0, s5;
	s4 =	sadd.s32 $0xC00, s4  }
0xd: {  	s11 =	sshrl.u32 s10, $0x3;
	s17 =	sshrl.u32 s16, $0x3;
	[dreg:$0xe] =	wrdreg s4  }
0xe: {  	s21 =	sshrl.u32 s19, $0x3;
	s1 =	smax.u32 s1, $0x1;
	[dreg:$0xd] =	wrdreg s8  }
0xf: {  	s16 =	simm.s32 $0x11;
	s24 =	sadd.s32 $0x8, s8;
	[dreg:$0x18] =	wrdreg s1  }
0x10: {  	s19 =	simm.s32 $0x13;
	s25 =	sadd.s32 $0x10, s8;
	[dreg:$0xf] =	wrdreg s24  }
0x11: {  	s26 =	sadd.s32 $0x18, s8;
	s28 =	sadd.s32 $0x20, s8;
	[dreg:$0x10] =	wrdreg s25  }
0x12: {  	s5 =	sadd.s32 $0x618, s8;
	s7 =	sadd.s32 $0x628, s8;
	[dreg:$0x11] =	wrdreg s26  }
0x13: {  	s4 =	sshrl.u32 s6, $0x3;
	s9 =	sadd.s32 $0x630, s8;
	[dreg:$0x12] =	wrdreg s28  }
0x14: {  	s6 =	sor.u32 $0x180, s2;
	s22 =	sadd.s32 s21, s0;
	[dreg:$0x13] =	wrdreg s5  }
0x15: {  	s21 =	simm.s32 $0x14;
	s1 =	simm.s32 $0x0;
	[dreg:$0x15] =	wrdreg s7  }
0x16: {  	s5 =	sadd.s32 $0x620, s8;
	[dreg:$0x16] =	wrdreg s9;
	s4 =	sadd.s32 s4, s0  }
0x17: {  	s14 =	sshrl.u32 s6, $0x3;
	[dreg:$0x9] =	wrdreg s22;
	s24 =	sshrl.u32 s23, $0x3  }
0x18: {  	s25 =	sor.u32 $0x340, s2;
	s2 =	sor.u32 $0x300, s2;
	s28 =	sadd.s32 $0x638, s8  }
0x19: {  	s22 =	simm.s32 $0x8400;
	s7 =	simm.s32 $0x2;
	[dreg:$0x14] =	wrdreg s5  }
0x1a: {  	s8 =	simm.s32 $0x3;
	s9 =	simm.s32 $0x4;
	[dreg:$0x3] =	wrdreg s4  }
0x1b: {  	s4 =	sadd.s32 s11, s0;
	s5 =	sshrl.u32 s12, $0x3;
	s15 =	sadd.s32 s14, s0  }
0x1c: {  	s2 =	sshrl.u32 s2, $0x3;
	[dreg:$0x17] =	wrdreg s28;
	s11 =	simm.s32 $0x5  }
0x1d: {  	s14 =	simm.s32 $0xF;
	s12 =	simm.s32 $0x18400;
	[dreg:$0x4] =	wrdreg s4  }
0x1e: {  	s13 =	sadd.s32 s5, s0;
	[dreg:$0x6] =	wrdreg s15;
	s4 =	sadd.s32 s17, s0  }
0x1f: {  	s5 =	sshrl.u32 s18, $0x3;
	s17 =	simm.s32 $0x80;
	[dreg:$0x5] =	wrdreg s13  }
0x20: {  	s15 =	simm.s32 $0xA;
	s18 =	simm.s32 $0x12;
	[dreg:$0x7] =	wrdreg s4  }
0x21: {  	s20 =	sadd.s32 s5, s0;
	s4 =	sadd.s32 s24, s0;
	s5 =	sshrl.u32 s25, $0x3  }
0x22: {  	s24 =	simm.s32 $0x6400;
	s25 =	simm.s32 $0xC400;
	[dreg:$0x8] =	wrdreg s20  }
0x23: {  	s13 =	simm.s32 $0x9;
	[dreg:$0xa] =	wrdreg s4;
	s26 =	sadd.s32 s5, s0  }
0x24: {  	s0 =	sadd.s32 s2, s0;
	s2 =	simm.s32 $0xA400;
	[dreg:$0xb] =	wrdreg s26  }
0x25: {  	s5 =	simm.s32 $0x1;
	s4 =	simm.s32 $0x10;
	[dreg:$0xc] =	wrdreg s0  }
.LBB2_1:
0x26: {  	[dreg:$0x19] =	wrdreg s1  }
0x27: {  	s0 =	simm.s32 $0x0;
	s23 =	rddreg [dreg:$0xe];
	s20 =	simm.s32 $0x15  }
0x28: {  	[tilespmem:s0], [sflag:$0x15] =	stream.linear.gather [hbm4b:s23+s0], $0x6400, $0x38;
	[tilespmem:$0x1A400] =	vst v63  }
0x29: {  	_ =	swait.ge [sflag:s20], $0x6400  }
0x2a: {  	[sflag:s20] =	ssyncset.done $0x0  }
0x2b: {  	[sflag:s20] =	ssyncadd.s32 $0xFFFF9C00  }
0x2c: {  	[tilespmem:s24], [sflag:$0x1] =	stream.indirect.gather [hbm4b:s3+s17], $0x40, s0, s17, $0xb8;
	[tilespmem:$0x1A400] =	vst v63  }
0x2d: {  	_ = 	snop  }
0x2e: {  	[tilespmem:s22], [sflag:$0x2] =	stream.indirect.gather [hbm4b:s3+s17], $0x40, s17, s17, $0xb8;
	[tilespmem:$0x1A400] =	vst v63  }
0x2f: {  	s26 =	simm.s32 $0x100  }
0x30: {  	[tilespmem:s2], [sflag:$0x3] =	stream.indirect.gather [hbm4b:s3+s17], $0x40, s26, s17, $0xb8;
	[tilespmem:$0x1A400] =	vst v63  }
0x31: {  	s1 =	simm.s32 $0x180  }
0x32: {  	[tilespmem:s25], [sflag:$0x4] =	stream.indirect.gather [hbm4b:s3+s17], $0x40, s1, s17, $0xb8;
	[tilespmem:$0x1A400] =	vst v63  }
0x33: {  	s6 =	simm.s32 $0x200;
	s20 =	simm.s32 $0xE400  }
0x34: {  	[tilespmem:s20], [sflag:$0x5] =	stream.indirect.gather [hbm4b:s3+s17], $0x40, s6, s17, $0xb8;
	[tilespmem:$0x1A400] =	vst v63  }
0x35: {  	s10 =	simm.s32 $0x280;
	s1 =	simm.s32 $0x10400  }
0x36: {  	[tilespmem:s1], [sflag:$0x6] =	stream.indirect.gather [hbm4b:s3+s17], $0x40, s10, s17, $0xb8;
	[tilespmem:$0x1A400] =	vst v63  }
0x37: {  	_ =	swait.ge [sflag:s5], $0x2000  }
0x38: {  	[sflag:s5] =	ssyncset.done $0x0  }
0x39: {  	s23 =	rddreg [dreg:$0xd];
	[sflag:s5] =	ssyncadd.s32 $0xFFFFE000  }
0x3a: {  	[hbm4b:s23+s30] =	stream.strided.scatter [tilespmem:s24], [sflag:$0xB], $0x2000, s31, s30, $0x38;
	[tilespmem:$0x1A400] =	vst v63  }
0x3b: {  	s26 =	simm.s32 $0x300;
	s6 =	simm.s32 $0x12400  }
0x3c: {  	[tilespmem:s6], [sflag:$0x7] =	stream.indirect.gather [hbm4b:s3+s17], $0x40, s26, s17, $0xb8;
	[tilespmem:$0x1A400] =	vst v63  }
0x3d: {  	_ =	swait.ge [sflag:s7], $0x2000  }
0x3e: {  	[sflag:s7] =	ssyncset.done $0x0  }
0x3f: {  	s10 =	rddreg [dreg:$0xf];
	[sflag:s7] =	ssyncadd.s32 $0xFFFFE000  }
0x40: {  	[hbm4b:s10+s30] =	stream.strided.scatter [tilespmem:s22], [sflag:$0xC], $0x2000, s31, s30, $0x38;
	[tilespmem:$0x1A400] =	vst v63  }
0x41: {  	s23 =	simm.s32 $0x380;
	s26 =	simm.s32 $0x14400  }
0x42: {  	[tilespmem:s26], [sflag:$0x8] =	stream.indirect.gather [hbm4b:s3+s17], $0x40, s23, s17, $0xb8;
	[tilespmem:$0x1A400] =	vst v63  }
0x43: {  	_ =	swait.ge [sflag:s8], $0x2000  }
0x44: {  	[sflag:s8] =	ssyncset.done $0x0  }
0x45: {  	s10 =	rddreg [dreg:$0x10];
	[sflag:s8] =	ssyncadd.s32 $0xFFFFE000  }
0x46: {  	[hbm4b:s10+s30] =	stream.strided.scatter [tilespmem:s2], [sflag:$0xD], $0x2000, s31, s30, $0x38;
	[tilespmem:$0x1A400] =	vst v63  }
0x47: {  	s28 =	simm.s32 $0x16400;
	s23 =	simm.s32 $0x400  }
0x48: {  	[tilespmem:s28], [sflag:$0x9] =	stream.indirect.gather [hbm4b:s3+s17], $0x40, s23, s17, $0xb8;
	[tilespmem:$0x1A400] =	vst v63  }
0x49: {  	_ =	swait.ge [sflag:s9], $0x2000  }
0x4a: {  	[sflag:s9] =	ssyncset.done $0x0  }
0x4b: {  	s10 =	rddreg [dreg:$0x11];
	[sflag:s9] =	ssyncadd.s32 $0xFFFFE000  }
0x4c: {  	[hbm4b:s10+s30] =	stream.strided.scatter [tilespmem:s25], [sflag:$0xE], $0x2000, s31, s30, $0x38;
	[tilespmem:$0x1A400] =	vst v63  }
0x4d: {  	s23 =	simm.s32 $0x480;
	s10 =	simm.s32 $0x18400  }
0x4e: {  	[tilespmem:s10], [sflag:$0xA] =	stream.indirect.gather [hbm4b:s3+s17], $0x40, s23, s17, $0xb8;
	[tilespmem:$0x1A400] =	vst v63  }
0x4f: {  	_ =	swait.ge [sflag:s11], $0x2000  }
0x50: {  	[sflag:s11] =	ssyncset.done $0x0  }
0x51: {  	s23 =	rddreg [dreg:$0x12];
	[sflag:s11] =	ssyncadd.s32 $0xFFFFE000  }
0x52: {  	[hbm4b:s23+s30] =	stream.strided.scatter [tilespmem:s20], [sflag:$0xF], $0x2000, s31, s30, $0x38;
	[tilespmem:$0x1A400] =	vst v63  }
0x53: {  	s23 =	simm.s32 $0xB  }
0x54: {  	_ =	swait.ge [sflag:s23], $0x2000  }
0x55: {  	[sflag:s23] =	ssyncset.done $0x0  }
0x56: {  	s0 =	simm.s32 $0x500;
	[sflag:s23] =	ssyncadd.s32 $0xFFFFE000  }
0x57: {  	[tilespmem:s24], [sflag:$0x1] =	stream.indirect.gather [hbm4b:s3+s17], $0x40, s0, s17, $0xb8;
	[tilespmem:$0x1A400] =	vst v63  }
0x58: {  	s0 =	simm.s32 $0x6  }
0x59: {  	_ =	swait.ge [sflag:s0], $0x2000  }
0x5a: {  	s23 =	rddreg [dreg:$0x7];
	[sflag:s0] =	ssyncset.done $0x0  }
0x5b: {  	[sflag:s0] =	ssyncadd.s32 $0xFFFFE000;
	s23 =	sadd.s32 $0x0, s23  }
0x5c: {  	[hbm4b:s23+s30] =	stream.strided.scatter [tilespmem:s1], [sflag:$0x10], $0x2000, s31, s30, $0x38;
	[tilespmem:$0x1A400] =	vst v63  }
0x5d: {  	s23 =	simm.s32 $0xC  }
0x5e: {  	_ =	swait.ge [sflag:s23], $0x2000  }
0x5f: {  	[sflag:s23] =	ssyncset.done $0x0  }
0x60: {  	s0 =	simm.s32 $0x580;
	[sflag:s23] =	ssyncadd.s32 $0xFFFFE000  }
0x61: {  	[tilespmem:s22], [sflag:$0x2] =	stream.indirect.gather [hbm4b:s3+s17], $0x40, s0, s17, $0xb8;
	[tilespmem:$0x1A400] =	vst v63  }
0x62: {  	s0 =	simm.s32 $0x7  }
0x63: {  	_ =	swait.ge [sflag:s0], $0x2000  }
0x64: {  	s23 =	rddreg [dreg:$0x6];
	[sflag:s0] =	ssyncset.done $0x0  }
0x65: {  	[sflag:s0] =	ssyncadd.s32 $0xFFFFE000;
	s23 =	sadd.s32 $0x0, s23  }
0x66: {  	[hbm4b:s23+s30] =	stream.strided.scatter [tilespmem:s6], [sflag:$0x11], $0x2000, s31, s30, $0x38;
	[tilespmem:$0x1A400] =	vst v63  }
0x67: {  	s23 =	simm.s32 $0xD  }
0x68: {  	_ =	swait.ge [sflag:s23], $0x2000  }
0x69: {  	[sflag:s23] =	ssyncset.done $0x0  }
0x6a: {  	s0 =	simm.s32 $0x600;
	[sflag:s23] =	ssyncadd.s32 $0xFFFFE000  }
0x6b: {  	[tilespmem:s2], [sflag:$0x3] =	stream.indirect.gather [hbm4b:s3+s17], $0x40, s0, s17, $0xb8;
	[tilespmem:$0x1A400] =	vst v63  }
0x6c: {  	s0 =	simm.s32 $0x8  }
0x6d: {  	_ =	swait.ge [sflag:s0], $0x2000  }
0x6e: {  	s23 =	rddreg [dreg:$0x5];
	[sflag:s0] =	ssyncset.done $0x0  }
0x6f: {  	[sflag:s0] =	ssyncadd.s32 $0xFFFFE000;
	s23 =	sadd.s32 $0x0, s23  }
0x70: {  	[hbm4b:s23+s30] =	stream.strided.scatter [tilespmem:s26], [sflag:$0x12], $0x2000, s31, s30, $0x38;
	[tilespmem:$0x1A400] =	vst v63  }
0x71: {  	s23 =	simm.s32 $0xE  }
0x72: {  	_ =	swait.ge [sflag:s23], $0x2000  }
0x73: {  	[sflag:s23] =	ssyncset.done $0x0  }
0x74: {  	s0 =	simm.s32 $0x680;
	[sflag:s23] =	ssyncadd.s32 $0xFFFFE000  }
0x75: {  	[tilespmem:s25], [sflag:$0x4] =	stream.indirect.gather [hbm4b:s3+s17], $0x40, s0, s17, $0xb8;
	[tilespmem:$0x1A400] =	vst v63  }
0x76: {  	_ =	swait.ge [sflag:s13], $0x2000  }
0x77: {  	s0 =	rddreg [dreg:$0x4];
	[sflag:s13] =	ssyncset.done $0x0  }
0x78: {  	[sflag:s13] =	ssyncadd.s32 $0xFFFFE000;
	s23 =	sadd.s32 $0x0, s0  }
0x79: {  	[hbm4b:s23+s30] =	stream.strided.scatter [tilespmem:s28], [sflag:$0x13], $0x2000, s31, s30, $0x38;
	[tilespmem:$0x1A400] =	vst v63  }
0x7a: {  	_ =	swait.ge [sflag:s14], $0x2000  }
0x7b: {  	[sflag:s14] =	ssyncset.done $0x0  }
0x7c: {  	s0 =	simm.s32 $0x700;
	[sflag:s14] =	ssyncadd.s32 $0xFFFFE000  }
0x7d: {  	[tilespmem:s20], [sflag:$0x5] =	stream.indirect.gather [hbm4b:s3+s17], $0x40, s0, s17, $0xb8;
	[tilespmem:$0x1A400] =	vst v63  }
0x7e: {  	_ =	swait.ge [sflag:s15], $0x2000  }
0x7f: {  	s20 =	rddreg [dreg:$0x3];
	[sflag:s15] =	ssyncset.done $0x0  }
0x80: {  	[sflag:s15] =	ssyncadd.s32 $0xFFFFE000;
	s23 =	sadd.s32 $0x0, s20  }
0x81: {  	[hbm4b:s23+s30] =	stream.strided.scatter [tilespmem:s10], [sflag:$0x14], $0x2000, s31, s30, $0x38;
	[tilespmem:$0x1A400] =	vst v63  }
0x82: {  	_ =	swait.ge [sflag:s4], $0x2000  }
0x83: {  	[sflag:s4] =	ssyncset.done $0x0  }
0x84: {  	s0 =	simm.s32 $0x780;
	[sflag:s4] =	ssyncadd.s32 $0xFFFFE000  }
0x85: {  	[tilespmem:s1], [sflag:$0x6] =	stream.indirect.gather [hbm4b:s3+s17], $0x40, s0, s17, $0xb8;
	[tilespmem:$0x1A400] =	vst v63  }
0x86: {  	_ =	swait.ge [sflag:s5], $0x2000  }
0x87: {  	s1 =	rddreg [dreg:$0x8];
	[sflag:s5] =	ssyncset.done $0x0  }
0x88: {  	[sflag:s5] =	ssyncadd.s32 $0xFFFFE000;
	s23 =	sadd.s32 $0x0, s1  }
0x89: {  	[hbm4b:s23+s30] =	stream.strided.scatter [tilespmem:s24], [sflag:$0xB], $0x2000, s31, s30, $0x38;
	[tilespmem:$0x1A400] =	vst v63  }
0x8a: {  	_ =	swait.ge [sflag:s16], $0x2000  }
0x8b: {  	[sflag:s16] =	ssyncset.done $0x0  }
0x8c: {  	s5 =	simm.s32 $0x800;
	[sflag:s16] =	ssyncadd.s32 $0xFFFFE000  }
0x8d: {  	[tilespmem:s6], [sflag:$0x7] =	stream.indirect.gather [hbm4b:s3+s17], $0x40, s5, s17, $0xb8;
	[tilespmem:$0x1A400] =	vst v63  }
0x8e: {  	_ =	swait.ge [sflag:s7], $0x2000  }
0x8f: {  	s6 =	rddreg [dreg:$0x9];
	[sflag:s7] =	ssyncset.done $0x0  }
0x90: {  	[sflag:s7] =	ssyncadd.s32 $0xFFFFE000;
	s23 =	sadd.s32 $0x0, s6  }
0x91: {  	[hbm4b:s23+s30] =	stream.strided.scatter [tilespmem:s22], [sflag:$0xC], $0x2000, s31, s30, $0x38;
	[tilespmem:$0x1A400] =	vst v63  }
0x92: {  	_ =	swait.ge [sflag:s18], $0x2000  }
0x93: {  	[sflag:s18] =	ssyncset.done $0x0  }
0x94: {  	s7 =	simm.s32 $0x880;
	[sflag:s18] =	ssyncadd.s32 $0xFFFFE000  }
0x95: {  	[tilespmem:s26], [sflag:$0x8] =	stream.indirect.gather [hbm4b:s3+s17], $0x40, s7, s17, $0xb8;
	[tilespmem:$0x1A400] =	vst v63  }
0x96: {  	_ =	swait.ge [sflag:s8], $0x2000  }
0x97: {  	s20 =	rddreg [dreg:$0xc];
	[sflag:s8] =	ssyncset.done $0x0  }
0x98: {  	[sflag:s8] =	ssyncadd.s32 $0xFFFFE000;
	s23 =	sadd.s32 $0x0, s20  }
0x99: {  	[hbm4b:s23+s30] =	stream.strided.scatter [tilespmem:s2], [sflag:$0xD], $0x2000, s31, s30, $0x38;
	[tilespmem:$0x1A400] =	vst v63  }
0x9a: {  	_ =	swait.ge [sflag:s19], $0x2000  }
0x9b: {  	[sflag:s19] =	ssyncset.done $0x0  }
0x9c: {  	s22 =	simm.s32 $0x900;
	[sflag:s19] =	ssyncadd.s32 $0xFFFFE000  }
0x9d: {  	[tilespmem:s28], [sflag:$0x9] =	stream.indirect.gather [hbm4b:s3+s17], $0x40, s22, s17, $0xb8;
	[tilespmem:$0x1A400] =	vst v63  }
0x9e: {  	_ =	swait.ge [sflag:s9], $0x2000  }
0x9f: {  	s24 =	rddreg [dreg:$0xb];
	[sflag:s9] =	ssyncset.done $0x0  }
0xa0: {  	[sflag:s9] =	ssyncadd.s32 $0xFFFFE000;
	s23 =	sadd.s32 $0x0, s24  }
0xa1: {  	[hbm4b:s23+s30] =	stream.strided.scatter [tilespmem:s25], [sflag:$0xE], $0x2000, s31, s30, $0x38;
	[tilespmem:$0x1A400] =	vst v63  }
0xa2: {  	_ =	swait.ge [sflag:s21], $0x2000  }
0xa3: {  	s5 =	simm.s32 $0x1;
	s7 =	simm.s32 $0x2;
	[sflag:s21] =	ssyncset.done $0x0  }
0xa4: {  	s2 =	simm.s32 $0xA400;
	s25 =	simm.s32 $0x980;
	[sflag:s21] =	ssyncadd.s32 $0xFFFFE000  }
0xa5: {  	[tilespmem:s10], [sflag:$0xA] =	stream.indirect.gather [hbm4b:s3+s17], $0x40, s25, s17, $0xb8;
	[tilespmem:$0x1A400] =	vst v63  }
0xa6: {  	s22 =	simm.s32 $0x8400;
	s24 =	simm.s32 $0x6400;
	_ =	swait.ge [sflag:s11], $0x2000  }
0xa7: {  	s23 =	simm.s32 $0x50;
	s26 =	rddreg [dreg:$0xa];
	[sflag:s11] =	ssyncset.done $0x0  }
0xa8: {  	s25 =	simm.s32 $0xE80;
	[sflag:s11] =	ssyncadd.s32 $0xFFFFE000;
	s28 =	sadd.s32 $0x0, s26  }
.LBB2_2:
0xa9: {  	s26 =	simm.s32 $0xE400;
	s0 =	simm.s32 $0xB  }
0xaa: {  	[hbm4b:s28+s30] =	stream.strided.scatter [tilespmem:s26], [sflag:$0xF], $0x2000, s31, s30, $0x38;
	[tilespmem:$0x1A400] =	vst v63  }
0xab: {  	_ =	swait.ge [sflag:s0], $0x2000  }
0xac: {  	[sflag:s0] =	ssyncset.done $0x0  }
0xad: {  	s10 =	sadd.s32 $0xFFFFFB80, s25;
	s1 =	simm.s32 $0x6;
	[sflag:s0] =	ssyncadd.s32 $0xFFFFE000  }
0xae: {  	[tilespmem:s24], [sflag:$0x1] =	stream.indirect.gather [hbm4b:s3+s17], $0x40, s10, s17, $0xb8;
	[tilespmem:$0x1A400] =	vst v63  }
0xaf: {  	s20 =	simm.s32 $0xC;
	_ =	swait.ge [sflag:s1], $0x2000  }
0xb0: {  	s28 =	smov.u32 s23;
	s11 =	rddreg [dreg:$0x7];
	[sflag:s1] =	ssyncset.done $0x0  }
0xb1: {  	[sflag:s1] =	ssyncadd.s32 $0xFFFFE000;
	s0 =	sadd.s32 s28, s11;
	s1 =	simm.s32 $0x10400  }
0xb2: {  	[hbm4b:s0+s30] =	stream.strided.scatter [tilespmem:s1], [sflag:$0x10], $0x2000, s31, s30, $0x38;
	[tilespmem:$0x1A400] =	vst v63  }
0xb3: {  	_ =	swait.ge [sflag:s20], $0x2000  }
0xb4: {  	[sflag:s20] =	ssyncset.done $0x0  }
0xb5: {  	s6 =	sadd.s32 $0xFFFFFC00, s25;
	[sflag:s20] =	ssyncadd.s32 $0xFFFFE000  }
0xb6: {  	[tilespmem:s22], [sflag:$0x2] =	stream.indirect.gather [hbm4b:s3+s17], $0x40, s6, s17, $0xb8;
	[tilespmem:$0x1A400] =	vst v63  }
0xb7: {  	s6 =	simm.s32 $0x7  }
0xb8: {  	_ =	swait.ge [sflag:s6], $0x2000  }
0xb9: {  	s9 =	simm.s32 $0xD;
	s8 =	rddreg [dreg:$0x6];
	[sflag:s6] =	ssyncset.done $0x0  }
0xba: {  	[sflag:s6] =	ssyncadd.s32 $0xFFFFE000;
	s0 =	sadd.s32 s28, s8;
	s6 =	simm.s32 $0x12400  }
0xbb: {  	[hbm4b:s0+s30] =	stream.strided.scatter [tilespmem:s6], [sflag:$0x11], $0x2000, s31, s30, $0x38;
	[tilespmem:$0x1A400] =	vst v63  }
0xbc: {  	_ =	swait.ge [sflag:s9], $0x2000  }
0xbd: {  	[sflag:s9] =	ssyncset.done $0x0  }
0xbe: {  	s10 =	sadd.s32 $0xFFFFFC80, s25;
	s8 =	simm.s32 $0x8;
	[sflag:s9] =	ssyncadd.s32 $0xFFFFE000  }
0xbf: {  	[tilespmem:s2], [sflag:$0x3] =	stream.indirect.gather [hbm4b:s3+s17], $0x40, s10, s17, $0xb8;
	[tilespmem:$0x1A400] =	vst v63  }
0xc0: {  	_ =	swait.ge [sflag:s8], $0x2000  }
0xc1: {  	s20 =	simm.s32 $0xE;
	s11 =	rddreg [dreg:$0x5];
	[sflag:s8] =	ssyncset.done $0x0  }
0xc2: {  	[sflag:s8] =	ssyncadd.s32 $0xFFFFE000;
	s0 =	sadd.s32 s28, s11;
	s8 =	simm.s32 $0x14400  }
0xc3: {  	[hbm4b:s0+s30] =	stream.strided.scatter [tilespmem:s8], [sflag:$0x12], $0x2000, s31, s30, $0x38;
	[tilespmem:$0x1A400] =	vst v63  }
0xc4: {  	_ =	swait.ge [sflag:s20], $0x2000  }
0xc5: {  	[sflag:s20] =	ssyncset.done $0x0  }
0xc6: {  	s9 =	sadd.s32 $0xFFFFFD00, s25;
	[sflag:s20] =	ssyncadd.s32 $0xFFFFE000  }
0xc7: {  	[tilespmem:s29], [sflag:$0x4] =	stream.indirect.gather [hbm4b:s3+s17], $0x40, s9, s17, $0xb8;
	[tilespmem:$0x1A400] =	vst v63  }
0xc8: {  	_ =	swait.ge [sflag:s13], $0x2000  }
0xc9: {  	s10 =	rddreg [dreg:$0x4];
	[sflag:s13] =	ssyncset.done $0x0  }
0xca: {  	s9 =	simm.s32 $0x16400;
	[sflag:s13] =	ssyncadd.s32 $0xFFFFE000;
	s0 =	sadd.s32 s28, s10  }
0xcb: {  	[hbm4b:s0+s30] =	stream.strided.scatter [tilespmem:s9], [sflag:$0x13], $0x2000, s31, s30, $0x38;
	[tilespmem:$0x1A400] =	vst v63  }
0xcc: {  	_ =	swait.ge [sflag:s14], $0x2000  }
0xcd: {  	[sflag:s14] =	ssyncset.done $0x0  }
0xce: {  	s11 =	sadd.s32 $0xFFFFFD80, s25;
	[sflag:s14] =	ssyncadd.s32 $0xFFFFE000  }
0xcf: {  	[tilespmem:s26], [sflag:$0x5] =	stream.indirect.gather [hbm4b:s3+s17], $0x40, s11, s17, $0xb8;
	[tilespmem:$0x1A400] =	vst v63  }
0xd0: {  	_ =	swait.ge [sflag:s15], $0x2000  }
0xd1: {  	s26 =	rddreg [dreg:$0x3];
	[sflag:s15] =	ssyncset.done $0x0  }
0xd2: {  	s11 =	simm.s32 $0x18400;
	[sflag:s15] =	ssyncadd.s32 $0xFFFFE000;
	s0 =	sadd.s32 s28, s26  }
0xd3: {  	[hbm4b:s0+s30] =	stream.strided.scatter [tilespmem:s11], [sflag:$0x14], $0x2000, s31, s30, $0x38;
	[tilespmem:$0x1A400] =	vst v63  }
0xd4: {  	_ =	swait.ge [sflag:s4], $0x2000  }
0xd5: {  	[sflag:s4] =	ssyncset.done $0x0  }
0xd6: {  	s10 =	sadd.s32 $0xFFFFFE00, s25;
	[sflag:s4] =	ssyncadd.s32 $0xFFFFE000  }
0xd7: {  	[tilespmem:s1], [sflag:$0x6] =	stream.indirect.gather [hbm4b:s3+s17], $0x40, s10, s17, $0xb8;
	[tilespmem:$0x1A400] =	vst v63  }
0xd8: {  	_ =	swait.ge [sflag:s5], $0x2000  }
0xd9: {  	s1 =	rddreg [dreg:$0x8];
	[sflag:s5] =	ssyncset.done $0x0  }
0xda: {  	[sflag:s5] =	ssyncadd.s32 $0xFFFFE000;
	s0 =	sadd.s32 s28, s1  }
0xdb: {  	[hbm4b:s0+s30] =	stream.strided.scatter [tilespmem:s24], [sflag:$0xB], $0x2000, s31, s30, $0x38;
	[tilespmem:$0x1A400] =	vst v63  }
0xdc: {  	_ =	swait.ge [sflag:s16], $0x2000  }
0xdd: {  	[sflag:s16] =	ssyncset.done $0x0  }
0xde: {  	s10 =	sadd.s32 $0xFFFFFE80, s25;
	[sflag:s16] =	ssyncadd.s32 $0xFFFFE000  }
0xdf: {  	[tilespmem:s6], [sflag:$0x7] =	stream.indirect.gather [hbm4b:s3+s17], $0x40, s10, s17, $0xb8;
	[tilespmem:$0x1A400] =	vst v63  }
0xe0: {  	_ =	swait.ge [sflag:s7], $0x2000  }
0xe1: {  	s6 =	rddreg [dreg:$0x9];
	[sflag:s7] =	ssyncset.done $0x0  }
0xe2: {  	[sflag:s7] =	ssyncadd.s32 $0xFFFFE000;
	s0 =	sadd.s32 s28, s6  }
0xe3: {  	[hbm4b:s0+s30] =	stream.strided.scatter [tilespmem:s22], [sflag:$0xC], $0x2000, s31, s30, $0x38;
	[tilespmem:$0x1A400] =	vst v63  }
0xe4: {  	_ =	swait.ge [sflag:s18], $0x2000  }
0xe5: {  	[sflag:s18] =	ssyncset.done $0x0  }
0xe6: {  	s10 =	sadd.s32 $0xFFFFFF00, s25;
	[sflag:s18] =	ssyncadd.s32 $0xFFFFE000  }
0xe7: {  	[tilespmem:s8], [sflag:$0x8] =	stream.indirect.gather [hbm4b:s3+s17], $0x40, s10, s17, $0xb8;
	[tilespmem:$0x1A400] =	vst v63  }
0xe8: {  	s8 =	simm.s32 $0x3  }
0xe9: {  	_ =	swait.ge [sflag:s8], $0x2000  }
0xea: {  	s10 =	rddreg [dreg:$0xc];
	[sflag:s8] =	ssyncset.done $0x0  }
0xeb: {  	[sflag:s8] =	ssyncadd.s32 $0xFFFFE000;
	s0 =	sadd.s32 s28, s10  }
0xec: {  	[hbm4b:s0+s30] =	stream.strided.scatter [tilespmem:s2], [sflag:$0xD], $0x2000, s31, s30, $0x38;
	[tilespmem:$0x1A400] =	vst v63  }
0xed: {  	_ =	swait.ge [sflag:s19], $0x2000  }
0xee: {  	[sflag:s19] =	ssyncset.done $0x0  }
0xef: {  	s0 =	sadd.s32 $0xFFFFFF80, s25;
	[sflag:s19] =	ssyncadd.s32 $0xFFFFE000  }
0xf0: {  	[tilespmem:s9], [sflag:$0x9] =	stream.indirect.gather [hbm4b:s3+s17], $0x40, s0, s17, $0xb8;
	[tilespmem:$0x1A400] =	vst v63  }
0xf1: {  	s9 =	simm.s32 $0x4  }
0xf2: {  	_ =	swait.ge [sflag:s9], $0x2000  }
0xf3: {  	s0 =	rddreg [dreg:$0xb];
	[sflag:s9] =	ssyncset.done $0x0  }
0xf4: {  	[sflag:s9] =	ssyncadd.s32 $0xFFFFE000;
	s0 =	sadd.s32 s28, s0  }
0xf5: {  	[hbm4b:s0+s30] =	stream.strided.scatter [tilespmem:s29], [sflag:$0xE], $0x2000, s31, s30, $0x38;
	[tilespmem:$0x1A400] =	vst v63  }
0xf6: {  	_ =	swait.ge [sflag:s21], $0x2000  }
0xf7: {  	[sflag:s21] =	ssyncset.done $0x0  }
0xf8: {  	p0 =	sne.s32 s23, $0x5A0;
	[sflag:s21] =	ssyncadd.s32 $0xFFFFE000  }
0xf9: {  	[tilespmem:s11], [sflag:$0xA] =	stream.indirect.gather [hbm4b:s3+s17], $0x40, s25, s17, $0xb8;
	[tilespmem:$0x1A400] =	vst v63  }
.Ltmp0:
0xfa: {  	s23 =	sadd.s32 $0x50, s23;
	(pc) =	sbr.rel @p0 .LBB2_2-.Ltmp0, $4  }
0xfb: {  	s20 =	simm.s32 $0xE400;
	s26 =	simm.s32 $0x10400;
	s11 =	simm.s32 $0x5  }
0xfc: {  	s1 =	simm.s32 $0x12400;
	s6 =	simm.s32 $0x14400;
	_ =	swait.ge [sflag:s11], $0x2000  }
0xfd: {  	s10 =	simm.s32 $0x16400;
	[sflag:s11] =	ssyncset.done $0x0;
	s0 =	rddreg [dreg:$0xa]  }
0xfe: {  	s25 =	sadd.s32 $0x500, s25;
	[sflag:s11] =	ssyncadd.s32 $0xFFFFE000;
	s28 =	sadd.s32 s28, s0  }
0xff: {  	[hbm4b:s28+s30] =	stream.strided.scatter [tilespmem:s20], [sflag:$0xF], $0x2000, s31, s30, $0x38;
	[tilespmem:$0x1A400] =	vst v63  }
0x100: {  	s0 =	simm.s32 $0x6  }
0x101: {  	_ =	swait.ge [sflag:s0], $0x2000  }
0x102: {  	[sflag:s0] =	ssyncset.done $0x0  }
0x103: {  	s25 =	rddreg [dreg:$0x13];
	[sflag:s0] =	ssyncadd.s32 $0xFFFFE000  }
0x104: {  	[hbm4b:s25+s30] =	stream.strided.scatter [tilespmem:s26], [sflag:$0x10], $0x2000, s31, s30, $0x38;
	[tilespmem:$0x1A400] =	vst v63  }
0x105: {  	s26 =	simm.s32 $0x7  }
0x106: {  	_ =	swait.ge [sflag:s26], $0x2000  }
0x107: {  	[sflag:s26] =	ssyncset.done $0x0  }
0x108: {  	s2 =	simm.s32 $0x8;
	s28 =	rddreg [dreg:$0x14];
	[sflag:s26] =	ssyncadd.s32 $0xFFFFE000  }
0x109: {  	[hbm4b:s28+s30] =	stream.strided.scatter [tilespmem:s1], [sflag:$0x11], $0x2000, s31, s30, $0x38;
	[tilespmem:$0x1A400] =	vst v63  }
0x10a: {  	_ =	swait.ge [sflag:s2], $0x2000  }
0x10b: {  	[sflag:s2] =	ssyncset.done $0x0  }
0x10c: {  	s5 =	rddreg [dreg:$0x15];
	[sflag:s2] =	ssyncadd.s32 $0xFFFFE000  }
0x10d: {  	[hbm4b:s5+s30] =	stream.strided.scatter [tilespmem:s6], [sflag:$0x12], $0x2000, s31, s30, $0x38;
	[tilespmem:$0x1A400] =	vst v63  }
0x10e: {  	_ =	swait.ge [sflag:s13], $0x2000  }
0x10f: {  	[sflag:s13] =	ssyncset.done $0x0  }
0x110: {  	s7 =	rddreg [dreg:$0x16];
	[sflag:s13] =	ssyncadd.s32 $0xFFFFE000  }
0x111: {  	[hbm4b:s7+s30] =	stream.strided.scatter [tilespmem:s10], [sflag:$0x13], $0x2000, s31, s30, $0x38;
	[tilespmem:$0x1A400] =	vst v63  }
0x112: {  	_ =	swait.ge [sflag:s15], $0x2000  }
0x113: {  	[sflag:s15] =	ssyncset.done $0x0  }
0x114: {  	s22 =	simm.s32 $0xB;
	s20 =	rddreg [dreg:$0x17];
	[sflag:s15] =	ssyncadd.s32 $0xFFFFE000  }
0x115: {  	[hbm4b:s20+s30] =	stream.strided.scatter [tilespmem:s12], [sflag:$0x14], $0x2000, s31, s30, $0x38;
	[tilespmem:$0x1A400] =	vst v63  }
0x116: {  	_ =	swait.ge [sflag:s22], $0x2000  }
0x117: {  	[sflag:s22] =	ssyncset.done $0x0  }
0x118: {  	s23 =	simm.s32 $0xC;
	[sflag:s22] =	ssyncadd.s32 $0xFFFFE000  }
0x119: {  	_ =	swait.ge [sflag:s23], $0x2000  }
0x11a: {  	[sflag:s23] =	ssyncset.done $0x0  }
0x11b: {  	s24 =	simm.s32 $0xD;
	[sflag:s23] =	ssyncadd.s32 $0xFFFFE000  }
0x11c: {  	_ =	swait.ge [sflag:s24], $0x2000  }
0x11d: {  	[sflag:s24] =	ssyncset.done $0x0  }
0x11e: {  	s25 =	simm.s32 $0xE;
	[sflag:s24] =	ssyncadd.s32 $0xFFFFE000  }
0x11f: {  	_ =	swait.ge [sflag:s25], $0x2000  }
0x120: {  	[sflag:s25] =	ssyncset.done $0x0  }
0x121: {  	[sflag:s25] =	ssyncadd.s32 $0xFFFFE000  }
0x122: {  	_ =	swait.ge [sflag:s14], $0x2000  }
0x123: {  	[sflag:s14] =	ssyncset.done $0x0  }
0x124: {  	[sflag:s14] =	ssyncadd.s32 $0xFFFFE000  }
0x125: {  	_ =	swait.ge [sflag:s4], $0x2000  }
0x126: {  	[sflag:s4] =	ssyncset.done $0x0  }
0x127: {  	[sflag:s4] =	ssyncadd.s32 $0xFFFFE000  }
0x128: {  	_ =	swait.ge [sflag:s16], $0x2000  }
0x129: {  	[sflag:s16] =	ssyncset.done $0x0  }
0x12a: {  	[sflag:s16] =	ssyncadd.s32 $0xFFFFE000  }
0x12b: {  	_ =	swait.ge [sflag:s18], $0x2000  }
0x12c: {  	[sflag:s18] =	ssyncset.done $0x0  }
0x12d: {  	[sflag:s18] =	ssyncadd.s32 $0xFFFFE000  }
0x12e: {  	_ =	swait.ge [sflag:s19], $0x2000  }
0x12f: {  	[sflag:s19] =	ssyncset.done $0x0  }
0x130: {  	[sflag:s19] =	ssyncadd.s32 $0xFFFFE000  }
0x131: {  	_ =	swait.ge [sflag:s21], $0x2000  }
0x132: {  	s26 =	rddreg [dreg:$0x19]  }
0x133: {  	s28 =	rddreg [dreg:$0x18];
	s1 =	sadd.s32 $0x1, s26  }
0x134: {  	p0 =	sne.s32 s1, s28  }
.Ltmp1:
0x135: {  	_ = 	snop;
	(pc) =	sbr.rel @p0 .LBB2_1-.Ltmp1, $4  }
0x136: {  	_ = 	snop  }
0x137: {  	s2 =	simm.s32 $0xA400;
	s5 =	simm.s32 $0x1  }
0x138: {  	s7 =	simm.s32 $0x2;
	s22 =	simm.s32 $0x8400;
	[sflag:s21] =	ssyncset.done $0x0  }
0x139: {  	s24 =	simm.s32 $0x6400;
	s25 =	simm.s32 $0xC400;
	[sflag:s21] =	ssyncadd.s32 $0xFFFFE000  }
0x13a: {  	_ =	sfence.sel $0x180000  }
0x13b: {  	[bflag:$0x0] =	sbarrier.arrive $0xFFFF  }
0x13c: {  	_ =	strace $0x9000004A  }
0x13d: {  	s0 =	stileid.u32;
	[bflag:$0x2] =	sbarrier.arrive $0xFFFF  }
0x13e: {  	p0 =	sne.s32 s0, $0x0;
	s0 =	rddreg [dreg:$0x2]  }
0x13f: {  	s0 =	sadd.s32 @!p0 $0x100000, s0  }
0x140: {  	[sflag:s0] =	ssyncadd.tile.s32 @!p0 $0x1;
	_ =	shalt  }
.Lfunc_end2:
_tile_overlayer_lowered:
.L_overlay_start_2:
0x141: {  	(tag) =	ssettag $0x2  }
0x142: {  	s0 =	rddreg [dreg:$0x0];
	s2 =	stileid.u32  }
0x143: {  	s1 =	rddreg [dreg:$0x1];
	p0 =	sne.s32 s2, $0x0  }
0x144: {  	s3 =	rddreg [dreg:$0x2];
	[bflag:$0x3] =	sbarrier.arrive $0xFFFF;
	s2 =	simm.s32 @!p0 $0x1C15  }
0x145: {  	[timem:s3], [sflag:s2] =	dma.local @!p0 [hbm:s0], s1  }
0x146: {  	s0 =	simm.s32 @!p0 $0x15  }
0x147: {  	_ =	swait.ge @!p0 [sflag:s0], s1  }
0x148: {  	s1 =	ssub.s32 @!p0 $0x0, s1;
	[sflag:s0] =	ssyncset.done @!p0 $0x0  }
0x149: {  	[sflag:s0] =	ssyncadd.s32 @!p0 s1  }
0x14a: {  	[bflag:$0x3] =	sbarrier.arrive $0xFFFF  }
0x14b: {  	_ =	shalt  }

// kernel: sparse-core-data-format-call.cloned.1.call-start
scs
called_computation_lowered:
.L_overlay_start_0:
0x0: {  	s2 =	sld [smem:$0x3FD9]  }
0x1: {  	s3 =	sld [smem:$0x3FFE];
	_ =	sdelay $0x1  }
0x2: {  	s1 =	srdreg.scid  }
0x3: {  	s0 =	sand.u32 $0x1, s1  }
0x4: {  	s18 =	sshll.u32 s0, $0xA;
	s2 =	sadd.s32 s3, s2  }
0x5: {  	s2 =	sadd.s32 s2, s18  }
0x6: {  	[smem:$0x3FC6] =	sst s2  }
0x7: {  	_ = 	snop  }
0x8: {  	s2 =	sld [smem:$0x3FD0];
	(tm) =	ssettm $0x1  }
0x9: {  	s19 =	sld [smem:$0x3FFB];
	_ =	sdelay $0x3  }
0xa: {  	_ =	strace s19  }
0xb: {  	s3 =	sld [smem:$0x3FFC];
	_ =	sdelay $0x3  }
0xc: {  	_ =	strace s3  }
0xd: {  	s3 =	sld [smem:$0x3FFD];
	_ =	sdelay $0x3  }
0xe: {  	_ =	strace s3  }
0xf: {  	_ =	strace $0x8FFFFFFF  }
0x10: {  	s20 =	sld [smem:$0x3FDB];
	_ =	sdelay $0x1  }
0x11: {  	s4 =	simm.s32 $_scs_section_size  }
0x12: {  	s5 =	simm.s32 $_size__tile_overlayer_lowered;
	s6 =	simm.s32 $_tile_overlayer_lowered  }
0x13: {  	s23 =	simm.s32 $0x1BFF;
	s22 =	sshll.u32 s6, $0x1;
	s3 =	sadd.s32 s4, s20  }
0x14: {  	s7 =	simm.s32 $0x0;
	s21 =	sshll.u32 s5, $0x1;
	s5 =	sadd.s32 s22, s3  }
0x15: {  	[timem:s7], [sflag:s23] =	dma.local [hbm:s5], s21  }
0x16: {  	_ =	swait.ge [sflag:s23], s21  }
0x17: {  	s4 =	ssub.s32 $0x0, s21;
	[sflag:s23] =	ssyncset.done $0x0  }
0x18: {  	[sflag:s23] =	ssyncadd.s32 s4;
	_ =	sdelay $0x1  }
0x19: {  	s24 =	simm.s32 $0x1B8B  }
0x1a: {  	_ =	swait.ge [sflag:s24], $0x1  }
0x1b: {  	[sflag:s24] =	ssyncset.done $0x0  }
0x1c: {  	s26 =	simm.s32 $0x1B8E;
	s25 =	sld [smem:$0x3FFE];
	[sflag:s24] =	ssyncadd.s32 $0xFFFFFFFF  }
0x1d: {  	s27 =	simm.s32 $execute0_lowered;
	[smem:$0x3FD2] =	sst s26  }
0x1e: {  	s5 =	sshll.u32 s27, $0x1;
	_ =	strace $0x8000004C;
	[dreg:$0x1] =	wrdreg $0xFFFFFFFF  }
0x1f: {  	s28 =	simm.s32 $_size_execute0_lowered;
	s3 =	sadd.s32 s3, s5;
	[dreg:$0x0] =	wrdreg $0x0  }
0x20: {  	s5 =	sshll.u32 s28, $0x1;
	[dreg:$0x2] =	wrdreg s3  }
0x21: {  	[dreg:$0x3] =	wrdreg s5  }
0x22: {  	[dreg:$0x4] =	wrdreg $0xC0  }
0x23: {  	_ =	task [dreg:s7], $0x5FFFF  }
0x24: {  	[dreg:$0x1] =	wrdreg $0xFFFFFFFF  }
0x25: {  	[dreg:$0x0] =	wrdreg $0x60  }
0x26: {  	[dreg:$0x2] =	wrdreg s25  }
0x27: {  	[dreg:$0x3] =	wrdreg s2  }
0x28: {  	[dreg:$0x4] =	wrdreg $0x9  }
0x29: {  	_ =	task.clear_ibuf [dreg:s7], $0x5FFFF;
	_ =	strace $0x9000004C  }
0x2a: {  	s29 =	simm.s32 $0x9;
	_ =	strace $0x8000004E  }
0x2b: {  	_ =	swait.ge [sflag:s29], $0x1  }
0x2c: {  	[sflag:s29] =	ssyncadd.s32 $0xFFFFFFFF  }
0x2d: {  	_ =	strace $0x9000004E  }
0x2e: {  	_ =	sfence  }
0x2f: {  	s30 =	sld [smem:$0x0];
	_ =	sdelay $0x2  }
0x30: {  	s31 =	sshll.u32 s1, $0xD;
	s1 =	sshrl.u32 s1, $0x2  }
0x31: {  	s3 =	sand.u32 $0x4000, s31;
	s1 =	sadd.s32 s1, s30  }
0x32: {  	s0 =	sor.u32 s3, s0;
	s1 =	sshll.u32 s1, $0x11  }
0x33: {  	s0 =	sor.u32 s1, s0  }
0x34: {  	s0 =	sadd.s32 $0x8F2B, s0  }
0x35: {  	[sflag:s0] =	ssyncadd.remote.s32 $0x1  }
0x36: {  	_ =	sfence.sel $0xFFFF  }
0x37: {  	[dreg:$0x0] =	wrdreg $0xFFFFFFFF;
	(pc) =	sbr.abs _section_cstart, $3  }
0x38: {  	[dreg:$0x1] =	wrdreg $0xFFFFFFFF  }
0x39: {  	_ =	task.clear_ibuf [dreg:s7], $0x2FFFF;
	_ =	strace $0x9FFFFFFF  }
0x3a: {  	(tm) =	ssettm $0x7FFFFFFF  }
0x3b: {  	_ =	shalt  }
tec
execute0_lowered:
.L_overlay_start_1:
0x0: {  	(tag) =	ssettag $0x1  }
0x1: {  	s0 =	srdreg.scid  }
0x2: {  	s1 =	sshll.u32 s0, $0x4  }
0x3: {  	s0 =	stileid.u32;
	s1 =	sand.u32 $0x10, s1  }
0x4: {  	s1 =	sor.u32 s0, s1  }
0x5: {  	s6 =	rddreg [dreg:$0x0];
	s4 =	simm.s32 $0x1;
	s2 =	sshll.u32 s1, $0x7  }
0x6: {  	s7 =	simm.s32 $0x2;
	s12 =	simm.s32 $0x0;
	s1 =	ssub.s32 $0x1000, s2  }
0x7: {  	s8 =	simm.s32 $0x8000;
	s13 =	simm.s32 $0x0;
	s3 =	sand.u32 $0xF80, s1  }
0x8: {  	s9 =	simm.s32 $0x0;
	s5 =	sshrl.u32 s1, $0xC;
	p0 =	sne.s32 s3, $0x0  }
.Ltmp0:
0x9: {  	s1 =	rddreg [dreg:$0x2];
	s4 =	simm.s32 @!p0 $0x0;
	(pc) =	sbr.rel .LBB1_1-.Ltmp0, $4  }
0xa: {  	s11 =	simm.s32 $0x0;
	s3 =	rddreg [dreg:$0x1];
	s5 =	sadd.s32 s4, s5  }
0xb: {  	_ =	strace $0x8000004D;
	s4 =	simm.s32 $0x1;
	s5 =	smul.u32 $0xC8, s5  }
0xc: {  	s6 =	sadd.s32 $0xC00, s6;
	s10 =	smov.u32 s2;
	[sflag:s4] =	ssyncpa.u1 $0x0  }
0xd: {  	p0 =	por $0x0, $0x0;
	[sflag:s7] =	ssyncpa.u1 $0x0;
	s7 =	sor.u32 $0x1, s5  }
.LBB1_4:
0xe: {  	s16 =	sshll.u32 s13, $0x3;
	s17 =	sand.u32 $0x78, s13  }
0xf: {  	s30 =	sand.u32 $0x7E00, s13;
	s12 =	sshll.u32 s12, $0xF;
	s16 =	sand.u32 $0xC00, s16  }
0x10: {  	[tilespmem:s15+$0x810 ss:$0x81] =	vst.msk $0xffff, v2;
	s31 =	sand.u32 $0x7, s13;
	s16 =	sor.u32 s17, s16;
	s17 =	sadd.s32 s3, s30  }
0x11: {  	[tilespmem:s15+$0x1020 ss:$0x81] =	vst.msk $0xffff, v0;
	s13 =	sshll.u32 s31, $0x12;
	s12 =	sadd.s32 s12, s17;
	s16 =	sshrl.u32 s16, $0x3  }
0x12: {  	[tilespmem:s15+$0x0 ss:$0x81] =	vst.msk $0xffff, v1;
	s13 =	sor.u32 $0x400, s13;
	s12 =	sadd.s32 s16, s12  }
0x13: {  	[hbm4b:s12+s13] =	stream.strided.scatter [tilespmem:s14], [sflag:$0x2], $0x2000, s8, s13, $0x20;
	[tilespmem:$0x8080] =	vst v63  }
.LBB1_5:
0x14: {  	s14 =	sadd.s32 $0x1, s9  }
0x15: {  	s12 =	sadd.s32 $0x1000, s10;
	s16 =	smov.u32 s10;
	p2 =	sgt.s32 s14, $0xC7  }
0x16: {  	s16 =	smov.u32 @p2 s12  }
0x17: {  	s14 =	simm.s32 @p2 $0x0;
	p2 =	sgt.s32 s16, $0xFFF  }
0x18: {  	s16 =	smov.u32 @p2 s2;
	p2 =	sne.s32 s11, s7  }
.Ltmp1:
0x19: {  	p1 =	slt.u32 s11, $0x2;
	(pc) =	sbr.rel @!p2 .LBB1_6-.Ltmp1, $4  }
0x1a: {  	s15 =	simm.s32 @!p1 $0x2  }
0x1b: {  	s13 =	smov.u32 s10;
	p0 =	por !p0, !p0;
	_ =	swait.ge @!p1 [sflag:s15], $0x2000  }
0x1c: {  	s12 =	smov.u32 s9;
	[sflag:s15] =	ssyncset.done @!p1 $0x0;
	s9 =	smov.u32 s14  }
0x1d: {  	s11 =	sadd.s32 $0x1, s11;
	[sflag:s15] =	ssyncadd.s32 @!p1 $0xFFFFE000;
	s10 =	smov.u32 s16  }
.LBB1_1:
0x1e: {  	p1 =	sge.u32 s11, s5  }
0x1f: {  	s14 =	sand.u32 @!p1 $0x1FFFFFF, s9  }
0x20: {  	s15 =	smulhi.u32 @!p1 $0x147AE15, s14;
	_ =	sdelay $0x1  }
0x21: {  	s15 =	smul.u32 @!p1 $0xC8, s15  }
0x22: {  	s16 =	sxor.u32 @!p1 $0xFFFFFFFF, s11;
	s17 =	smul.u32 @!p1 $0xC80, s10  }
0x23: {  	s31 =	sadd.s32 $0xFFFFFFFF, s11;
	s16 =	sshll.u32 @!p1 s16, $0xD;
	s14 =	ssub.s32 @!p1 s14, s15  }
0x24: {  	s15 =	sand.u32 @!p1 $0x2000, s16;
	s16 =	sadd.s32 @!p1 s6, s17;
	s14 =	sshll.u32 @!p1 s14, $0x4  }
0x25: {  	s17 =	simm.s32 @!p1 $0x6400;
	s14 =	sadd.s32 @!p1 s14, s16;
	s16 =	simm.s32 @!p1 $0x40  }
0x26: {  	[tilespmem:s15], [sflag:$0x1] =	stream.strided.gather @!p1 [hbm4b:s14+s16], $0x2000, s17, s16, $0x38;
	[tilespmem:$0x8080] =	vst v63  }
0x27: {  	p1 =	sge.u32 s31, s5  }
.Ltmp2:
0x28: {  	_ = 	snop;
	(pc) =	sbr.rel @p1 .LBB1_5-.Ltmp2, $1  }
0x29: {  	_ =	sdelay $0x3  }
0x2a: {  	s14 =	simm.s32 $0x1  }
0x2b: {  	_ =	swait.ge [sflag:s4], $0x2000;
	s14 =	simm.s32 @!p0 $0x0  }
0x2c: {  	[sflag:s4] =	ssyncset.done $0x0;
	s15 =	sshll.u32 s14, $0xD  }
0x2d: {  	[sflag:s4] =	ssyncadd.s32 $0xFFFFE000;
	s18 =	sor.u32 $0x20, s15  }
0x2e: {  	s14 =	smul.u32 $0x8100, s14;
	v3 =	vld [tilespmem:s18+$0x10]  }
0x2f: {  	s30 =	sand.u32 $0x1, s11;
	v2 =	vld [tilespmem:s18+$0xFFFFFFF0]  }
0x30: {  	s15 =	smul.u32 $0x8100, s30;
	s14 =	sshrl.u32 s14, $0x2;
	v0 =	vld [tilespmem:s18+$0x0]  }
0x31: {  	v1 =	vld [tilespmem:s18+$0xFFFFFFE0];
	s16 =	sor.u32 $0x4000, s14  }
0x32: {  	s31 =	sshrl.u32 s15, $0x2;
	s15 =	sadd.s32 $0x0, s16  }
0x33: {  	s17 =	simm.s32 $0x4;
	s18 =	sadd.s32 $0x40, s18;
	s14 =	sor.u32 $0x4000, s31;
	[tilespmem:s15+$0x1830 ss:$0x81] =	vst.msk $0xffff, v3  }
.LBB1_3:
0x34: {  	v3 =	vld [tilespmem:s18+$0x10];
	p1 =	sne.s32 s17, $0x1FC;
	[tilespmem:s15+$0x810 ss:$0x81] =	vst.msk $0xffff, v2;
	s19 =	smov.u32 s17;
	s17 =	sadd.s32 $0x4, s17  }
.Ltmp3:
0x35: {  	v2 =	vld [tilespmem:s18+$0xFFFFFFF0];
	[tilespmem:s15+$0x1020 ss:$0x81] =	vst.msk $0xffff, v0;
	(pc) =	sbr.rel @p1 .LBB1_3-.Ltmp3, $4  }
0x36: {  	v0 =	vld [tilespmem:s18+$0x0];
	[tilespmem:s15+$0x0 ss:$0x81] =	vst.msk $0xffff, v1  }
0x37: {  	s15 =	sshra.s32 s19, $0x2;
	v1 =	vld [tilespmem:s18+$0xFFFFFFE0]  }
0x38: {  	s15 =	sadd.s32 s15, s16  }
0x39: {  	s18 =	sadd.s32 $0x40, s18;
	[tilespmem:s15+$0x1830 ss:$0x81] =	vst.msk $0xffff, v3  }
.Ltmp4:
0x3a: {  	_ = 	snop;
	(pc) =	sbr.rel .LBB1_4-.Ltmp4, $1  }
0x3b: {  	_ =	sdelay $0x3  }
.LBB1_6:
0x3c: {  	_ =	sfence.sel $0x180000  }
0x3d: {  	s2 =	simm.s32 $0x1;
	[bflag:$0x0] =	sbarrier.arrive $0xFFFF  }
0x3e: {  	s31 =	simm.s32 $0x2;
	[sflag:s2] =	ssyncpa.u1 $0x1  }
0x3f: {  	[sflag:s31] =	ssyncpa.u1 $0x1  }
0x40: {  	p0 =	sne.s32 s0, $0x0;
	_ =	strace $0x9000004D  }
0x41: {  	s0 =	sadd.s32 @!p0 $0x100000, s1;
	[bflag:$0x2] =	sbarrier.arrive $0xFFFF  }
0x42: {  	[sflag:s0] =	ssyncadd.tile.s32 @!p0 $0x1;
	_ =	shalt  }
.Lfunc_end1:
_tile_overlayer_lowered:
.L_overlay_start_2:
0x43: {  	(tag) =	ssettag $0x2  }
0x44: {  	s0 =	rddreg [dreg:$0x0];
	s2 =	stileid.u32  }
0x45: {  	s1 =	rddreg [dreg:$0x1];
	p0 =	sne.s32 s2, $0x0  }
0x46: {  	s3 =	rddreg [dreg:$0x2];
	[bflag:$0x3] =	sbarrier.arrive $0xFFFF;
	s2 =	simm.s32 @!p0 $0x1C01  }
0x47: {  	[timem:s3], [sflag:s2] =	dma.local @!p0 [hbm:s0], s1  }
0x48: {  	s0 =	simm.s32 @!p0 $0x1  }
0x49: {  	_ =	swait.ge @!p0 [sflag:s0], s1  }
0x4a: {  	s1 =	ssub.s32 @!p0 $0x0, s1;
	[sflag:s0] =	ssyncset.done @!p0 $0x0  }
0x4b: {  	[sflag:s0] =	ssyncadd.s32 @!p0 s1  }
0x4c: {  	[bflag:$0x3] =	sbarrier.arrive $0xFFFF  }
0x4d: {  	_ =	shalt  }

</sc_bundles>
